<compile_context>
chip_gen: v7x
topology: tpu7x:2x2x1
jax: 0.10.2.dev20260603
libtpu: 0.0.44.dev20260713+nightly
codegen_flags: <defaults>
</compile_context>

<pallas_src>
import functools

import jax
import jax.numpy as jnp
from jax import lax
from jax.experimental import pallas as pl
from jax.experimental.pallas import tpu as pltpu
from jax.experimental.pallas import tpu_sc as plsc

N, E, D, DE = 10000, 320000, 128, 16
CUN = 320
NC, NS = 2, 16
NW = NC * NS
L = 16
CH = 128
ZCH = 80
ZCHUNKS = N // ZCH
CUCHUNKS = CUN // ZCH
NSLICE = 4
ESL = E // NSLICE


def _vector_mesh():
    return plsc.VectorSubcoreMesh(core_axis_name="c", subcore_axis_name="s")


_SC_PARAMS = pltpu.CompilerParams(needs_layout_passes=False)
_SC_PARAMS_UNTILED = pltpu.CompilerParams(needs_layout_passes=False,
                                          use_tc_tiling_on_sc=False)


GCH = 40
NB = 6


@jax.jit
def _sc_gather(table, idx2, px, py, pz, row, col):
    ne = row.shape[0]
    rpt = (2 * ne) // NW
    nch = rpt // GCH
    assert rpt % GCH == 0 and nch > 2 * NB
    echunks_all = ne // CH
    echunks = -(-echunks_all // NW)

    @functools.partial(
        pl.kernel,
        mesh=_vector_mesh(),
        compiler_params=_SC_PARAMS,
        out_type=[
            jax.ShapeDtypeStruct((2 * ne, D), jnp.float32),
            jax.ShapeDtypeStruct((8, ne), jnp.float32),
        ],
        scratch_types=[
            pltpu.VMEM((rpt,), jnp.int32),
        ] + [pltpu.VMEM((GCH, D), jnp.float32) for _ in range(NB)] + [
            pltpu.VMEM((N,), jnp.float32),
            pltpu.VMEM((N,), jnp.float32),
            pltpu.VMEM((N,), jnp.float32),
            pltpu.VMEM((CH,), jnp.int32),
            pltpu.VMEM((CH,), jnp.int32),
            pltpu.VMEM((CH,), jnp.int32),
            pltpu.VMEM((CH,), jnp.int32),
            pltpu.VMEM((8, CH), jnp.float32),
            pltpu.VMEM((8, CH), jnp.float32),
        ] + [pltpu.SemaphoreType.DMA for _ in range(2 * NB + 4)],
    )
    def gk(table_hbm, idx_hbm, px_hbm, py_hbm, pz_hbm, row_hbm, col_hbm,
           out_hbm, cdr_hbm,
           idx_v, rb0, rb1, rb2, rb3, rb4, rb5, px_v, py_v, pz_v, r_v0, r_v1,
           c_v0, c_v1, geo_v0, geo_v1,
           g0, g1, g2, g3, g4, g5, o0, o1, o2, o3, o4, o5, e0, e1, l0, l1):
        rbufs = (rb0, rb1, rb2, rb3, rb4, rb5)
        gsems = (g0, g1, g2, g3, g4, g5)
        osems = (o0, o1, o2, o3, o4, o5)
        r_vs = (r_v0, r_v1)
        c_vs = (c_v0, c_v1)
        geo_vs = (geo_v0, geo_v1)
        esems = (e0, e1)
        lsems = (l0, l1)
        wid = lax.axis_index("c") * NS + lax.axis_index("s")

        pltpu.sync_copy(px_hbm, px_v)
        pltpu.sync_copy(py_hbm, py_v)
        pltpu.sync_copy(pz_hbm, pz_v)

        zero16 = jnp.zeros((L,), jnp.float32)

        for gv in geo_vs:
            @pl.loop(5, 8)
            def _(r):
                @pl.loop(0, CH // L)
                def _(cc):
                    gv[r, pl.ds(cc * L, L)] = zero16

        def start_eloads(cid, b):
            off = cid * CH
            pltpu.async_copy(row_hbm.at[pl.ds(off, CH)], r_vs[b], lsems[b])
            pltpu.async_copy(col_hbm.at[pl.ds(off, CH)], c_vs[b], lsems[b])

        def wait_eloads(b):
            pltpu.make_async_copy(row_hbm.at[pl.ds(0, CH)], r_vs[b],
                                  lsems[b]).wait()
            pltpu.make_async_copy(col_hbm.at[pl.ds(0, CH)], c_vs[b],
                                  lsems[b]).wait()

        for b in range(2):
            @pl.when(wid + b * NW < echunks_all)
            def _():
                start_eloads(wid + b * NW, b)

        @pl.loop(0, -(-echunks // 2))
        def _(t):
            for b in range(2):
                ch = 2 * t + b
                cid = wid + ch * NW

                @pl.when(cid < echunks_all)
                def _():
                    wait_eloads(b)

                    @pl.when(ch >= 2)
                    def _():
                        pltpu.make_async_copy(
                            geo_vs[b], cdr_hbm.at[:, pl.ds(0, CH)],
                            esems[b]).wait()

                    @pl.loop(0, CH // L)
                    def _(k):
                        sl = pl.ds(k * L, L)
                        ir = r_vs[b][sl]
                        ic = c_vs[b][sl]
                        dx = (plsc.load_gather(px_v, [ir])
                              - plsc.load_gather(px_v, [ic]))
                        dy = (plsc.load_gather(py_v, [ir])
                              - plsc.load_gather(py_v, [ic]))
                        dz = (plsc.load_gather(pz_v, [ir])
                              - plsc.load_gather(pz_v, [ic]))
                        geo_vs[b][0, sl] = dx
                        geo_vs[b][1, sl] = dy
                        geo_vs[b][2, sl] = dz
                        geo_vs[b][3, sl] = dx * dx + dy * dy + dz * dz
                        geo_vs[b][4, sl] = lax.convert_element_type(
                            lax.bitwise_and(ir, 31), jnp.float32)

                    pltpu.async_copy(geo_vs[b],
                                     cdr_hbm.at[:, pl.ds(cid * CH, CH)],
                                     esems[b])

                    @pl.when(cid + 2 * NW < echunks_all)
                    def _():
                        start_eloads(cid + 2 * NW, b)

        for b in range(2):
            @pl.when(wid + b * NW < echunks_all)
            def _():
                pltpu.make_async_copy(geo_vs[b], cdr_hbm.at[:, pl.ds(0, CH)],
                                      esems[b]).wait()

        gbase = wid * rpt
        pltpu.sync_copy(idx_hbm.at[pl.ds(gbase, rpt)], idx_v)

        def start_gather(cid, b):
            pltpu.async_copy(table_hbm.at[idx_v.at[pl.ds(cid * GCH, GCH)]],
                             rbufs[b], gsems[b])

        def start_out(cid, b):
            pltpu.async_copy(rbufs[b],
                             out_hbm.at[pl.ds(gbase + cid * GCH, GCH)],
                             osems[b])

        for b in range(NB):
            start_gather(b, b)

        @pl.loop(0, -(-nch // NB))
        def _(t):
            for b in range(NB):
                cid = t * NB + b

                @pl.when(cid < nch)
                def _():
                    pltpu.make_async_copy(table_hbm.at[pl.ds(0, GCH)],
                                          rbufs[b], gsems[b]).wait()
                    start_out(cid, b)

                @pl.when(cid + NB < nch)
                def _():
                    pltpu.make_async_copy(rbufs[b],
                                          out_hbm.at[pl.ds(0, GCH)],
                                          osems[b]).wait()
                    start_gather(cid + NB, b)

        for b in range(NB):
            pltpu.make_async_copy(rbufs[b], out_hbm.at[pl.ds(0, GCH)],
                                  osems[b]).wait()

    return gk(table, idx2, px, py, pz, row, col)


@jax.jit
def _sc_scatter(mvals, cus, row):
    ne = row.shape[0]
    echunks_all = ne // CH
    echunks = -(-echunks_all // NW)

    @functools.partial(
        pl.kernel,
        mesh=_vector_mesh(),
        compiler_params=_SC_PARAMS,
        out_type=[
            jax.ShapeDtypeStruct((NC, N, D), jnp.float32),
            jax.ShapeDtypeStruct((NC, CUN, D), jnp.float32),
        ],
        scratch_types=[
            pltpu.VMEM((CH,), jnp.int32),
            pltpu.VMEM((CH,), jnp.int32),
            pltpu.VMEM((CH,), jnp.int32),
            pltpu.VMEM((CH, D), jnp.float32),
            pltpu.VMEM((CH, D), jnp.float32),
            pltpu.VMEM((8, CH), jnp.float32),
            pltpu.VMEM((8, CH), jnp.float32),
            pltpu.VMEM_SHARED((N, D), jnp.float32),
            pltpu.VMEM_SHARED((CUN, D), jnp.float32),
            pltpu.SemaphoreType.DMA,
            pltpu.SemaphoreType.DMA,
        ],
    )
    def sk(mvals_hbm, cus_hbm, idx_hbm, outm_hbm, outcu_hbm,
           cuidx_v, idx_v0, idx_v1, mv, cuv, cus_v0, cus_v1,
           macc, cuacc, ls0, ls1):
        c = lax.axis_index("c")
        s = lax.axis_index("s")
        wid = c * NS + s
        idx_vs = (idx_v0, idx_v1)
        mvs = (mv, mv)
        cus_vs = (cus_v0, cus_v1)
        lsems = (ls0, ls1)

        zero16 = jnp.zeros((L,), jnp.float32)
        one16 = jnp.ones((L,), jnp.float32)

        @pl.loop(0, CH)
        def _(r):
            @pl.loop(0, D // L)
            def _(cc):
                mv[r, pl.ds(cc * L, L)] = zero16
                cuv[r, pl.ds(cc * L, L)] = zero16

        @pl.loop(0, ZCHUNKS)
        def _(z):
            @pl.when(lax.rem(z, NS) == s)
            def _():
                pltpu.sync_copy(mv.at[pl.ds(0, ZCH)],
                                macc.at[pl.ds(z * ZCH, ZCH)])

        @pl.loop(0, CUCHUNKS)
        def _(z):
            @pl.when(z == s)
            def _():
                pltpu.sync_copy(mv.at[pl.ds(0, ZCH)],
                                cuacc.at[pl.ds(z * ZCH, ZCH)])

        plsc.subcore_barrier()

        lanes16 = lax.iota(jnp.int32, L)

        def start_loads(cid, b):
            off = cid * CH
            pltpu.async_copy(idx_hbm.at[pl.ds(off, CH)], idx_vs[b], lsems[b])
            pltpu.async_copy(cus_hbm.at[:, pl.ds(off, CH)], cus_vs[b],
                             lsems[b])

        def wait_loads(b):
            pltpu.make_async_copy(idx_hbm.at[pl.ds(0, CH)], idx_vs[b],
                                  lsems[b]).wait()
            pltpu.make_async_copy(cus_hbm.at[:, pl.ds(0, CH)], cus_vs[b],
                                  lsems[b]).wait()

        for b in range(2):
            @pl.when(wid + b * NW < echunks_all)
            def _():
                start_loads(wid + b * NW, b)

        @pl.loop(0, -(-echunks // 2))
        def _(t):
            for b in range(2):
                ch = 2 * t + b
                cid = wid + ch * NW

                @pl.when((ch < echunks) & (cid < echunks_all))
                def _():
                    pltpu.sync_copy(mvals_hbm.at[pl.ds(cid * CH, CH)], mv)
                    wait_loads(b)

                    @pl.loop(0, CH // L)
                    def _(k):
                        sl = pl.ds(k * L, L)
                        r16 = idx_vs[b][sl]
                        rowi = lanes16 + k * L
                        lane = lax.shift_left(lax.bitwise_and(r16, 31), 2)
                        plsc.store_scatter(cuv, [rowi, lane], cus_vs[b][0, sl])
                        plsc.store_scatter(cuv, [rowi, lane + 1],
                                           cus_vs[b][1, sl])
                        plsc.store_scatter(cuv, [rowi, lane + 2],
                                           cus_vs[b][2, sl])
                        plsc.store_scatter(cuv, [rowi, lane + 3], one16)
                        cuidx_v[sl] = lax.shift_right_logical(r16, 5)

                    pltpu.sync_copy(mvs[b], macc.at[idx_vs[b]], add=True)
                    pltpu.sync_copy(cuv, cuacc.at[cuidx_v], add=True)

                    @pl.loop(0, CH // L)
                    def _(k):
                        sl = pl.ds(k * L, L)
                        r16 = idx_vs[b][sl]
                        rowi = lanes16 + k * L
                        lane = lax.shift_left(lax.bitwise_and(r16, 31), 2)
                        plsc.store_scatter(cuv, [rowi, lane], zero16)
                        plsc.store_scatter(cuv, [rowi, lane + 1], zero16)
                        plsc.store_scatter(cuv, [rowi, lane + 2], zero16)
                        plsc.store_scatter(cuv, [rowi, lane + 3], zero16)

                    cid2 = cid + 2 * NW

                    @pl.when((ch + 2 < echunks) & (cid2 < echunks_all))
                    def _():
                        start_loads(cid2, b)

        plsc.subcore_barrier()

        @pl.loop(0, ZCHUNKS)
        def _(z):
            @pl.when(lax.rem(z, NS) == s)
            def _():
                pltpu.sync_copy(macc.at[pl.ds(z * ZCH, ZCH)],
                                outm_hbm.at[c, pl.ds(z * ZCH, ZCH)])

        @pl.loop(0, CUCHUNKS)
        def _(z):
            @pl.when(z == s)
            def _():
                pltpu.sync_copy(cuacc.at[pl.ds(z * ZCH, ZCH)],
                                outcu_hbm.at[c, pl.ds(z * ZCH, ZCH)])

    return sk(mvals, cus, row)


BE = 3200


def _silu(x):
    return x * jax.nn.sigmoid(x)


def _bf(x):
    return x.astype(jnp.bfloat16)


def _edge_body(gr_ref, gc_ref, ea_ref, cdr_ref, w1r_ref, w1c_ref, w1a_ref,
               w1rad_ref, b1_ref, w2_ref, b2_ref, wc1_ref, bc1_ref, wc2_ref,
               m_ref, cus_ref):
    eye8 = jnp.eye(8, dtype=jnp.float32)
    cdrT = lax.dot_general(cdr_ref[...], eye8, (((0,), (0,)), ((), ())),
                           preferred_element_type=jnp.float32)
    cd = cdrT[:, 0:3]
    radial = cdrT[:, 3:4]

    t1 = (jnp.dot(_bf(gr_ref[...]), w1r_ref[...],
                  preferred_element_type=jnp.float32)
          + jnp.dot(_bf(gc_ref[...]), w1c_ref[...],
                    preferred_element_type=jnp.float32)
          + jnp.dot(_bf(ea_ref[...]), w1a_ref[...],
                    preferred_element_type=jnp.float32)
          + radial * w1rad_ref[...]
          + b1_ref[...])
    x = _silu(t1)
    m = _silu(jnp.dot(_bf(x), w2_ref[...], preferred_element_type=jnp.float32)
              + b2_ref[...])
    c1 = _silu(jnp.dot(_bf(m), wc1_ref[...], preferred_element_type=jnp.float32)
               + bc1_ref[...])
    w = jnp.sum(c1 * wc2_ref[...], axis=1, keepdims=True)
    cu = cd * (w * lax.rsqrt(radial + 1e-8))

    m_ref[...] = m
    cuT = jnp.concatenate([cu, jnp.zeros((BE, 5), jnp.float32)], axis=1)
    cus_ref[...] = lax.dot_general(eye8, cuT, (((1,), (1,)), ((), ())),
                                   preferred_element_type=jnp.float32)


def _edge_mlp(gathered, edge_attr, cdr, w1r, w1c, w1a, w1rad, b1, w2, b2,
              wc1, bc1, wc2):
    ne = edge_attr.shape[0]
    nb = ne // BE
    full = lambda shape: pl.BlockSpec(shape, lambda i: (0, 0))
    return pl.pallas_call(
        _edge_body,
        grid=(nb,),
        in_specs=[
            pl.BlockSpec((BE, D), lambda i: (i, 0)),
            pl.BlockSpec((BE, D), lambda i: (i + nb, 0)),
            pl.BlockSpec((BE, DE), lambda i: (i, 0)),
            pl.BlockSpec((8, BE), lambda i: (0, i)),
            full((D, D)), full((D, D)), full((DE, D)), full((1, D)),
            full((1, D)), full((D, D)), full((1, D)),
            full((D, D)), full((1, D)), full((1, D)),
        ],
        out_specs=[
            pl.BlockSpec((BE, D), lambda i: (i, 0)),
            pl.BlockSpec((8, BE), lambda i: (0, i)),
        ],
        out_shape=[
            jax.ShapeDtypeStruct((ne, D), jnp.float32),
            jax.ShapeDtypeStruct((8, ne), jnp.float32),
        ],
    )(gathered, gathered, edge_attr, cdr, w1r, w1c, w1a, w1rad, b1, w2, b2,
      wc1, bc1, wc2)


BN = 2000


def _node_body(p_ref, q_ref, h_ref, pos_ref, wn1h_ref, wn1m_ref, bn1_ref,
               wn2_ref, bn2_ref, hnew_ref, posnew_ref):
    m_i = p_ref[...]
    q = q_ref[...]
    pu = q[:, 0:3]
    cnt = q[:, 3:4]
    h = h_ref[...]
    t = _silu(jnp.dot(_bf(h), wn1h_ref[...], preferred_element_type=jnp.float32)
              + jnp.dot(_bf(m_i), wn1m_ref[...],
                        preferred_element_type=jnp.float32)
              + bn1_ref[...])
    hnew_ref[...] = h + jnp.dot(_bf(t), wn2_ref[...],
                                preferred_element_type=jnp.float32) + bn2_ref[...]
    posnew_ref[...] = pos_ref[...] + pu / (cnt + 1e-6)


def _node_mlp(p, q, h, pos, wn1h, wn1m, bn1, wn2, bn2):
    nb = N // BN
    full = lambda shape: pl.BlockSpec(shape, lambda i: (0, 0))
    return pl.pallas_call(
        _node_body,
        grid=(nb,),
        in_specs=[
            pl.BlockSpec((BN, D), lambda i: (i, 0)),
            pl.BlockSpec((BN, 4), lambda i: (i, 0)),
            pl.BlockSpec((BN, D), lambda i: (i, 0)),
            pl.BlockSpec((BN, 3), lambda i: (i, 0)),
            full((D, D)), full((D, D)), full((1, D)),
            full((D, D)), full((1, D)),
        ],
        out_specs=[
            pl.BlockSpec((BN, D), lambda i: (i, 0)),
            pl.BlockSpec((BN, 3), lambda i: (i, 0)),
        ],
        out_shape=[
            jax.ShapeDtypeStruct((N, D), jnp.float32),
            jax.ShapeDtypeStruct((N, 3), jnp.float32),
        ],
    )(p, q, h, pos, wn1h, wn1m, bn1, wn2, bn2)


def kernel(h, pos, edge_index, edge_attr, W_e1, b_e1, W_e2, b_e2,
           W_n1, b_n1, W_n2, b_n2, W_c1, b_c1, W_c2):
    row, col = edge_index[0], edge_index[1]
    px, py, pz = pos[:, 0], pos[:, 1], pos[:, 2]

    bf = lambda w: w.astype(jnp.bfloat16)
    ew = (bf(W_e1[:D]), bf(W_e1[D:2 * D]), bf(W_e1[2 * D + 1:]),
          W_e1[2 * D:2 * D + 1], b_e1.reshape(1, D),
          bf(W_e2), b_e2.reshape(1, D),
          bf(W_c1), b_c1.reshape(1, D), W_c2.reshape(1, D))

    outms, outcus = [], []
    for k in range(NSLICE):
        sl = slice(k * ESL, (k + 1) * ESL)
        row_k, col_k = row[sl], col[sl]
        idx2_k = jnp.concatenate([row_k, col_k])
        gathered, cdr = _sc_gather(h, idx2_k, px, py, pz, row_k, col_k)
        mvals, cus = _edge_mlp(gathered, edge_attr[sl], cdr, *ew)
        outm, outcu = _sc_scatter(mvals, cus, row_k)
        outms.append(outm)
        outcus.append(outcu)

    m_i = sum(o[0] + o[1] for o in outms)
    qacc = sum(o[0] + o[1] for o in outcus)
    q = qacc.reshape(CUN * 32, 4)[:N]
    h_new, pos_new = _node_mlp(m_i, q, h, pos,
                               bf(W_n1[:D]), bf(W_n1[D:]), b_n1.reshape(1, D),
                               bf(W_n2), b_n2.reshape(1, D))
    return (h_new, pos_new)

# --- scband reference (transcript-rebuilt; emitter-appended) ---
"""Pipeline reference for scband-egnnlayer-58875411693658 (READ-ONLY COPY).

The authoritative reference and input builder live on the scoring server;
editing this copy changes nothing except your own understanding.
"""

import jax, jax.numpy as jnp
import numpy as np

N, E, D, DE = 10000, 320000, 128, 16

def _lin(k, fan_in, fan_out):
    return jax.random.normal(k, (fan_in, fan_out), dtype=jnp.float32) * (1.0 / np.sqrt(fan_in))

def setup_inputs(seed: int = 0):
    key = jax.random.key(seed)
    ks = jax.random.split(key, 12)
    h = jax.random.normal(ks[0], (N, D), dtype=jnp.float32)
    pos = jax.random.normal(ks[1], (N, 3), dtype=jnp.float32)
    edge_index = jax.random.randint(ks[2], (2, E), 0, N, dtype=jnp.int32)
    edge_attr = jax.random.normal(ks[3], (E, DE), dtype=jnp.float32)
    return {
        'h': h, 'pos': pos, 'edge_index': edge_index, 'edge_attr': edge_attr,
        'W_e1': _lin(ks[4], 2 * D + 1 + DE, D), 'b_e1': jnp.zeros((D,), jnp.float32),
        'W_e2': _lin(ks[5], D, D), 'b_e2': jnp.zeros((D,), jnp.float32),
        'W_n1': _lin(ks[6], 2 * D, D), 'b_n1': jnp.zeros((D,), jnp.float32),
        'W_n2': _lin(ks[7], D, D), 'b_n2': jnp.zeros((D,), jnp.float32),
        'W_c1': _lin(ks[8], D, D), 'b_c1': jnp.zeros((D,), jnp.float32),
        'W_c2': _lin(ks[9], D, 1),
    }

def reference(h, pos, edge_index, edge_attr, W_e1, b_e1, W_e2, b_e2, W_n1, b_n1, W_n2, b_n2, W_c1, b_c1, W_c2):
    row, col = edge_index[0], edge_index[1]
    coord_diff = pos[row] - pos[col]
    radial = jnp.sum(coord_diff ** 2, axis=1, keepdims=True)
    edge_feat = jnp.concatenate([h[row], h[col], radial, edge_attr], axis=1)
    m_ij = jax.nn.silu(jax.nn.silu(edge_feat @ W_e1 + b_e1) @ W_e2 + b_e2)
    coord_weight = jax.nn.silu(m_ij @ W_c1 + b_c1) @ W_c2
    norm = jnp.sqrt(radial + 1e-08)
    coord_update = coord_diff / norm * coord_weight
    m_i = jnp.zeros_like(h).at[row].add(m_ij)
    node_in = jnp.concatenate([h, m_i], axis=1)
    h_new = h + (jax.nn.silu(node_in @ W_n1 + b_n1) @ W_n2 + b_n2)
    pos_update = jnp.zeros_like(pos).at[row].add(coord_update)
    counts = jnp.bincount(row, length=N).reshape(-1, 1).astype(jnp.float32)
    pos_new = pos + pos_update / (counts + 1e-06)
    return (h_new, pos_new)

if __name__ == "__main__":
    import jax
    _d = setup_inputs()
    print(jax.jit(kernel)(*tuple(_d.values())))

</pallas_src>

<mosaic_0001>
#map = affine_map<(d0, d1) -> (0, 0)>
#map1 = affine_map<(d0, d1) -> (0)>
module attributes {stable_mosaic.version = 14 : i64} {
  func.func @gk(%arg0: i32, %arg1: i32, %arg2: memref<10000x128xf32, #tpu.memory_space<hbm>>, %arg3: memref<160000xi32, #tpu.memory_space<hbm>>, %arg4: memref<10000xf32, #tpu.memory_space<hbm>>, %arg5: memref<10000xf32, #tpu.memory_space<hbm>>, %arg6: memref<10000xf32, #tpu.memory_space<hbm>>, %arg7: memref<80000xi32, #tpu.memory_space<hbm>>, %arg8: memref<80000xi32, #tpu.memory_space<hbm>>, %arg9: memref<160000x128xf32, #tpu.memory_space<hbm>>, %arg10: memref<8x80000xf32, #tpu.memory_space<hbm>>, %arg11: memref<5000xi32, #tpu.memory_space<vmem>>, %arg12: memref<40x128xf32, #tpu.memory_space<vmem>>, %arg13: memref<40x128xf32, #tpu.memory_space<vmem>>, %arg14: memref<40x128xf32, #tpu.memory_space<vmem>>, %arg15: memref<40x128xf32, #tpu.memory_space<vmem>>, %arg16: memref<40x128xf32, #tpu.memory_space<vmem>>, %arg17: memref<40x128xf32, #tpu.memory_space<vmem>>, %arg18: memref<10000xf32, #tpu.memory_space<vmem>>, %arg19: memref<10000xf32, #tpu.memory_space<vmem>>, %arg20: memref<10000xf32, #tpu.memory_space<vmem>>, %arg21: memref<128xi32, #tpu.memory_space<vmem>>, %arg22: memref<128xi32, #tpu.memory_space<vmem>>, %arg23: memref<128xi32, #tpu.memory_space<vmem>>, %arg24: memref<128xi32, #tpu.memory_space<vmem>>, %arg25: memref<8x128xf32, #tpu.memory_space<vmem>>, %arg26: memref<8x128xf32, #tpu.memory_space<vmem>>, %arg27: memref<!tpu.dma_semaphore, #tpu.memory_space<semaphore_mem>>, %arg28: memref<!tpu.dma_semaphore, #tpu.memory_space<semaphore_mem>>, %arg29: memref<!tpu.dma_semaphore, #tpu.memory_space<semaphore_mem>>, %arg30: memref<!tpu.dma_semaphore, #tpu.memory_space<semaphore_mem>>, %arg31: memref<!tpu.dma_semaphore, #tpu.memory_space<semaphore_mem>>, %arg32: memref<!tpu.dma_semaphore, #tpu.memory_space<semaphore_mem>>, %arg33: memref<!tpu.dma_semaphore, #tpu.memory_space<semaphore_mem>>, %arg34: memref<!tpu.dma_semaphore, #tpu.memory_space<semaphore_mem>>, %arg35: memref<!tpu.dma_semaphore, #tpu.memory_space<semaphore_mem>>, %arg36: memref<!tpu.dma_semaphore, #tpu.memory_space<semaphore_mem>>, %arg37: memref<!tpu.dma_semaphore, #tpu.memory_space<semaphore_mem>>, %arg38: memref<!tpu.dma_semaphore, #tpu.memory_space<semaphore_mem>>, %arg39: memref<!tpu.dma_semaphore, #tpu.memory_space<semaphore_mem>>, %arg40: memref<!tpu.dma_semaphore, #tpu.memory_space<semaphore_mem>>, %arg41: memref<!tpu.dma_semaphore, #tpu.memory_space<semaphore_mem>>, %arg42: memref<!tpu.dma_semaphore, #tpu.memory_space<semaphore_mem>>) attributes {dimension_semantics = [#tpu.dimension_semantics<core_parallel>, #tpu.dimension_semantics<subcore_parallel>], iteration_bounds = array<i64: 2, 16>, scalar_prefetch = 0 : i64, scratch_operands = 32 : i64, tpu.core_type = #tpu.core_type<sc_vector_subcore>, window_params = [{transform_indices = #map}, {transform_indices = #map1}, {transform_indices = #map1}, {transform_indices = #map1}, {transform_indices = #map1}, {transform_indices = #map1}, {transform_indices = #map1}, {transform_indices = #map}, {transform_indices = #map}]} {
    %mul3A = arith.constant 16 : i32
    %mul3A_0 = arith.muli %arg0, %mul3A : i32
    %add3A = arith.addi %mul3A_0, %arg1 : i32
    "tpu.region"() ({
      %run_scoped3A = tpu.sem_alloc : memref<!tpu.dma_semaphore, #tpu.memory_space<semaphore_mem>>
      tpu.enqueue_dma source(%arg4 : memref<10000xf32, #tpu.memory_space<hbm>>) target(%arg18 : memref<10000xf32, #tpu.memory_space<vmem>>) target_semaphore(%run_scoped3A : memref<!tpu.dma_semaphore, #tpu.memory_space<semaphore_mem>>)
      tpu.wait_dma2 semaphore(%run_scoped3A : memref<!tpu.dma_semaphore, #tpu.memory_space<semaphore_mem>>) src(%arg4 : memref<10000xf32, #tpu.memory_space<hbm>>) dst(%arg18 : memref<10000xf32, #tpu.memory_space<vmem>>)
      tpu.yield
    }) : () -> ()
    "tpu.region"() ({
      %run_scoped3A = tpu.sem_alloc : memref<!tpu.dma_semaphore, #tpu.memory_space<semaphore_mem>>
      tpu.enqueue_dma source(%arg5 : memref<10000xf32, #tpu.memory_space<hbm>>) target(%arg19 : memref<10000xf32, #tpu.memory_space<vmem>>) target_semaphore(%run_scoped3A : memref<!tpu.dma_semaphore, #tpu.memory_space<semaphore_mem>>)
      tpu.wait_dma2 semaphore(%run_scoped3A : memref<!tpu.dma_semaphore, #tpu.memory_space<semaphore_mem>>) src(%arg5 : memref<10000xf32, #tpu.memory_space<hbm>>) dst(%arg19 : memref<10000xf32, #tpu.memory_space<vmem>>)
      tpu.yield
    }) : () -> ()
    "tpu.region"() ({
      %run_scoped3A = tpu.sem_alloc : memref<!tpu.dma_semaphore, #tpu.memory_space<semaphore_mem>>
      tpu.enqueue_dma source(%arg6 : memref<10000xf32, #tpu.memory_space<hbm>>) target(%arg20 : memref<10000xf32, #tpu.memory_space<vmem>>) target_semaphore(%run_scoped3A : memref<!tpu.dma_semaphore, #tpu.memory_space<semaphore_mem>>)
      tpu.wait_dma2 semaphore(%run_scoped3A : memref<!tpu.dma_semaphore, #tpu.memory_space<semaphore_mem>>) src(%arg6 : memref<10000xf32, #tpu.memory_space<hbm>>) dst(%arg20 : memref<10000xf32, #tpu.memory_space<vmem>>)
      tpu.yield
    }) : () -> ()
    %broadcast_in_dim3A = arith.constant 0.000000e+00 : f32
    %broadcast_in_dim3A_1 = vector.broadcast %broadcast_in_dim3A : f32 to vector<16xf32>
    %scan3A = arith.constant 0 : i32
    %scan3A_2 = arith.constant 3 : i32
    %scan3A_3 = arith.addi %scan3A, %scan3A_2 : i32
    %scan3A_4 = arith.constant 1 : i32
    scf.for %scan3A_112 = %scan3A to %scan3A_3 step %scan3A_4  : i32 {
      %mul3A_113 = arith.constant 1 : i32
      %mul3A_114 = arith.muli %scan3A_112, %mul3A_113 : i32
      %add3A_115 = arith.constant 5 : i32
      %add3A_116 = arith.addi %add3A_115, %mul3A_114 : i32
      %scan3A_117 = arith.constant 0 : i32
      %scan3A_118 = arith.constant 8 : i32
      %scan3A_119 = arith.addi %scan3A_117, %scan3A_118 : i32
      %scan3A_120 = arith.constant 1 : i32
      scf.for %scan3A_122 = %scan3A_117 to %scan3A_119 step %scan3A_120  : i32 {
        %mul3A_123 = arith.constant 1 : i32
        %mul3A_124 = arith.muli %scan3A_122, %mul3A_123 : i32
        %add3A_125 = arith.constant 0 : i32
        %add3A_126 = arith.addi %add3A_125, %mul3A_124 : i32
        %mul3A_127 = arith.constant 16 : i32
        %mul3A_128 = arith.muli %add3A_126, %mul3A_127 : i32
        %swap3A = arith.index_cast %add3A_116 : i32 to index
        %swap3A_129 = arith.index_cast %mul3A_128 : i32 to index
        %swap3A_130 = tpu.vector_load %arg25[%swap3A, %swap3A_129] {strides = array<i32>} : memref<8x128xf32, #tpu.memory_space<vmem>>, vector<16xf32>,
        tpu.vector_store %arg25[%swap3A, %swap3A_129], %broadcast_in_dim3A_1 {strides = array<i32>} : memref<8x128xf32, #tpu.memory_space<vmem>>, vector<16xf32>,
      }
      %scan3A_121 = arith.constant 8 : i32
    }
    %scan3A_5 = arith.constant 3 : i32
    %scan3A_6 = arith.constant 0 : i32
    %scan3A_7 = arith.constant 3 : i32
    %scan3A_8 = arith.addi %scan3A_6, %scan3A_7 : i32
    %scan3A_9 = arith.constant 1 : i32
    scf.for %scan3A_112 = %scan3A_6 to %scan3A_8 step %scan3A_9  : i32 {
      %mul3A_113 = arith.constant 1 : i32
      %mul3A_114 = arith.muli %scan3A_112, %mul3A_113 : i32
      %add3A_115 = arith.constant 5 : i32
      %add3A_116 = arith.addi %add3A_115, %mul3A_114 : i32
      %scan3A_117 = arith.constant 0 : i32
      %scan3A_118 = arith.constant 8 : i32
      %scan3A_119 = arith.addi %scan3A_117, %scan3A_118 : i32
      %scan3A_120 = arith.constant 1 : i32
      scf.for %scan3A_122 = %scan3A_117 to %scan3A_119 step %scan3A_120  : i32 {
        %mul3A_123 = arith.constant 1 : i32
        %mul3A_124 = arith.muli %scan3A_122, %mul3A_123 : i32
        %add3A_125 = arith.constant 0 : i32
        %add3A_126 = arith.addi %add3A_125, %mul3A_124 : i32
        %mul3A_127 = arith.constant 16 : i32
        %mul3A_128 = arith.muli %add3A_126, %mul3A_127 : i32
        %swap3A = arith.index_cast %add3A_116 : i32 to index
        %swap3A_129 = arith.index_cast %mul3A_128 : i32 to index
        %swap3A_130 = tpu.vector_load %arg26[%swap3A, %swap3A_129] {strides = array<i32>} : memref<8x128xf32, #tpu.memory_space<vmem>>, vector<16xf32>,
        tpu.vector_store %arg26[%swap3A, %swap3A_129], %broadcast_in_dim3A_1 {strides = array<i32>} : memref<8x128xf32, #tpu.memory_space<vmem>>, vector<16xf32>,
      }
      %scan3A_121 = arith.constant 8 : i32
    }
    %scan3A_10 = arith.constant 3 : i32
    %add3A_11 = arith.constant 0 : i32
    %add3A_12 = arith.addi %add3A, %add3A_11 : i32
    %lt3A = arith.constant 625 : i32
    %lt3A_13 = arith.cmpi slt, %add3A_12, %lt3A : i32
    %convert_element_type3A = arith.extui %lt3A_13 : i1 to i32
    %cond3A = arith.constant 0 : i32
    %cond3A_14 = arith.cmpi ne, %convert_element_type3A, %cond3A : i32
    scf.if %cond3A_14 {
      %add3A_112 = arith.constant 0 : i32
      %add3A_113 = arith.addi %add3A, %add3A_112 : i32
      %mul3A_114 = arith.constant 128 : i32
      %mul3A_115 = arith.muli %add3A_113, %mul3A_114 : i32
      %dma_start3A_116 = tpu.memref_slice %arg7[%mul3A_115] : memref<80000xi32, #tpu.memory_space<hbm>> -> memref<128xi32, #tpu.memory_space<hbm>>
      %dma_start3A_117 = tpu.memref_slice %arg7[%mul3A_115] : memref<80000xi32, #tpu.memory_space<hbm>> -> memref<128xi32, #tpu.memory_space<hbm>>
      tpu.enqueue_dma source(%dma_start3A_117 : memref<128xi32, #tpu.memory_space<hbm>>) target(%arg21 : memref<128xi32, #tpu.memory_space<vmem>>) target_semaphore(%arg41 : memref<!tpu.dma_semaphore, #tpu.memory_space<semaphore_mem>>)
      %dma_start3A_118 = tpu.memref_slice %arg8[%mul3A_115] : memref<80000xi32, #tpu.memory_space<hbm>> -> memref<128xi32, #tpu.memory_space<hbm>>
      %dma_start3A_119 = tpu.memref_slice %arg8[%mul3A_115] : memref<80000xi32, #tpu.memory_space<hbm>> -> memref<128xi32, #tpu.memory_space<hbm>>
      tpu.enqueue_dma source(%dma_start3A_119 : memref<128xi32, #tpu.memory_space<hbm>>) target(%arg23 : memref<128xi32, #tpu.memory_space<vmem>>) target_semaphore(%arg41 : memref<!tpu.dma_semaphore, #tpu.memory_space<semaphore_mem>>)
    } else {
    }
    %add3A_15 = arith.constant 32 : i32
    %add3A_16 = arith.addi %add3A, %add3A_15 : i32
    %lt3A_17 = arith.constant 625 : i32
    %lt3A_18 = arith.cmpi slt, %add3A_16, %lt3A_17 : i32
    %convert_element_type3A_19 = arith.extui %lt3A_18 : i1 to i32
    %cond3A_20 = arith.constant 0 : i32
    %cond3A_21 = arith.cmpi ne, %convert_element_type3A_19, %cond3A_20 : i32
    scf.if %cond3A_21 {
      %add3A_112 = arith.constant 32 : i32
      %add3A_113 = arith.addi %add3A, %add3A_112 : i32
      %mul3A_114 = arith.constant 128 : i32
      %mul3A_115 = arith.muli %add3A_113, %mul3A_114 : i32
      %dma_start3A_116 = tpu.memref_slice %arg7[%mul3A_115] : memref<80000xi32, #tpu.memory_space<hbm>> -> memref<128xi32, #tpu.memory_space<hbm>>
      %dma_start3A_117 = tpu.memref_slice %arg7[%mul3A_115] : memref<80000xi32, #tpu.memory_space<hbm>> -> memref<128xi32, #tpu.memory_space<hbm>>
      tpu.enqueue_dma source(%dma_start3A_117 : memref<128xi32, #tpu.memory_space<hbm>>) target(%arg22 : memref<128xi32, #tpu.memory_space<vmem>>) target_semaphore(%arg42 : memref<!tpu.dma_semaphore, #tpu.memory_space<semaphore_mem>>)
      %dma_start3A_118 = tpu.memref_slice %arg8[%mul3A_115] : memref<80000xi32, #tpu.memory_space<hbm>> -> memref<128xi32, #tpu.memory_space<hbm>>
      %dma_start3A_119 = tpu.memref_slice %arg8[%mul3A_115] : memref<80000xi32, #tpu.memory_space<hbm>> -> memref<128xi32, #tpu.memory_space<hbm>>
      tpu.enqueue_dma source(%dma_start3A_119 : memref<128xi32, #tpu.memory_space<hbm>>) target(%arg24 : memref<128xi32, #tpu.memory_space<vmem>>) target_semaphore(%arg42 : memref<!tpu.dma_semaphore, #tpu.memory_space<semaphore_mem>>)
    } else {
    }
    %scan3A_22 = arith.constant 0 : i32
    %scan3A_23 = arith.constant 10 : i32
    %scan3A_24 = arith.addi %scan3A_22, %scan3A_23 : i32
    %scan3A_25 = arith.constant 1 : i32
    scf.for %scan3A_112 = %scan3A_22 to %scan3A_24 step %scan3A_25  : i32 {
      %mul3A_113 = arith.constant 1 : i32
      %mul3A_114 = arith.muli %scan3A_112, %mul3A_113 : i32
      %add3A_115 = arith.constant 0 : i32
      %add3A_116 = arith.addi %add3A_115, %mul3A_114 : i32
      %mul3A_117 = arith.constant 2 : i32
      %mul3A_118 = arith.muli %mul3A_117, %add3A_116 : i32
      %add3A_119 = arith.constant 0 : i32
      %add3A_120 = arith.addi %mul3A_118, %add3A_119 : i32
      %mul3A_121 = arith.constant 32 : i32
      %mul3A_122 = arith.muli %add3A_120, %mul3A_121 : i32
      %add3A_123 = arith.addi %add3A, %mul3A_122 : i32
      %lt3A_124 = arith.constant 625 : i32
      %lt3A_125 = arith.cmpi slt, %add3A_123, %lt3A_124 : i32
      %convert_element_type3A_126 = arith.extui %lt3A_125 : i1 to i32
      %cond3A_127 = arith.constant 0 : i32
      %cond3A_128 = arith.cmpi ne, %convert_element_type3A_126, %cond3A_127 : i32
      scf.if %cond3A_128 {
        %dma_wait3A_141 = arith.constant 0 : i32
        %dma_wait3A_142 = tpu.memref_slice %arg7[%dma_wait3A_141] : memref<80000xi32, #tpu.memory_space<hbm>> -> memref<128xi32, #tpu.memory_space<hbm>>
        %dma_wait3A_143 = arith.constant 0 : i32
        %dma_wait3A_144 = tpu.memref_slice %arg7[%dma_wait3A_143] : memref<80000xi32, #tpu.memory_space<hbm>> -> memref<128xi32, #tpu.memory_space<hbm>>
        tpu.wait_dma2 semaphore(%arg41 : memref<!tpu.dma_semaphore, #tpu.memory_space<semaphore_mem>>) src(%dma_wait3A_144 : memref<128xi32, #tpu.memory_space<hbm>>) dst(%arg21 : memref<128xi32, #tpu.memory_space<vmem>>)
        %dma_wait3A_145 = arith.constant 0 : i32
        %dma_wait3A_146 = tpu.memref_slice %arg8[%dma_wait3A_145] : memref<80000xi32, #tpu.memory_space<hbm>> -> memref<128xi32, #tpu.memory_space<hbm>>
        %dma_wait3A_147 = arith.constant 0 : i32
        %dma_wait3A_148 = tpu.memref_slice %arg8[%dma_wait3A_147] : memref<80000xi32, #tpu.memory_space<hbm>> -> memref<128xi32, #tpu.memory_space<hbm>>
        tpu.wait_dma2 semaphore(%arg41 : memref<!tpu.dma_semaphore, #tpu.memory_space<semaphore_mem>>) src(%dma_wait3A_148 : memref<128xi32, #tpu.memory_space<hbm>>) dst(%arg23 : memref<128xi32, #tpu.memory_space<vmem>>)
        %ge3A = arith.constant 2 : i32
        %ge3A_149 = arith.cmpi sge, %add3A_120, %ge3A : i32
        %convert_element_type3A_150 = arith.extui %ge3A_149 : i1 to i32
        %cond3A_151 = arith.constant 0 : i32
        %cond3A_152 = arith.cmpi ne, %convert_element_type3A_150, %cond3A_151 : i32
        scf.if %cond3A_152 {
          %dma_wait3A_171 = arith.constant 0 : i32
          %dma_wait3A_172 = arith.constant 0 : i32
          %dma_wait3A_173 = tpu.memref_slice %arg10[%dma_wait3A_171, %dma_wait3A_172] : memref<8x80000xf32, #tpu.memory_space<hbm>> -> memref<8x128xf32, #tpu.memory_space<hbm>>
          %dma_wait3A_174 = arith.constant 0 : i32
          %dma_wait3A_175 = arith.constant 0 : i32
          %dma_wait3A_176 = tpu.memref_slice %arg10[%dma_wait3A_174, %dma_wait3A_175] : memref<8x80000xf32, #tpu.memory_space<hbm>> -> memref<8x128xf32, #tpu.memory_space<hbm>>
          tpu.wait_dma2 semaphore(%arg39 : memref<!tpu.dma_semaphore, #tpu.memory_space<semaphore_mem>>) src(%arg25 : memref<8x128xf32, #tpu.memory_space<vmem>>) dst(%dma_wait3A_176 : memref<8x128xf32, #tpu.memory_space<hbm>>)
        } else {
        }
        %scan3A_153 = arith.constant 0 : i32
        %scan3A_154 = arith.constant 8 : i32
        %scan3A_155 = arith.addi %scan3A_153, %scan3A_154 : i32
        %scan3A_156 = arith.constant 1 : i32
        scf.for %scan3A_171 = %scan3A_153 to %scan3A_155 step %scan3A_156  : i32 {
          %mul3A_172 = arith.constant 1 : i32
          %mul3A_173 = arith.muli %scan3A_171, %mul3A_172 : i32
          %add3A_174 = arith.constant 0 : i32
          %add3A_175 = arith.addi %add3A_174, %mul3A_173 : i32
          %mul3A_176 = arith.constant 16 : i32
          %mul3A_177 = arith.muli %add3A_175, %mul3A_176 : i32
          %get3A = arith.index_cast %mul3A_177 : i32 to index
          %get3A_178 = tpu.vector_load %arg21[%get3A] {strides = array<i32>} : memref<128xi32, #tpu.memory_space<vmem>>, vector<16xi32>,
          %get3A_179 = arith.index_cast %mul3A_177 : i32 to index
          %get3A_180 = tpu.vector_load %arg23[%get3A_179] {strides = array<i32>} : memref<128xi32, #tpu.memory_space<vmem>>, vector<16xi32>,
          %gather3A = tpu.vector_load_idx %arg18[%get3A_178] : memref<10000xf32, #tpu.memory_space<vmem>>[vector<16xi32>], vector<16xf32>,
          %gather3A_181 = tpu.vector_load_idx %arg18[%get3A_180] : memref<10000xf32, #tpu.memory_space<vmem>>[vector<16xi32>], vector<16xf32>,
          %sub3A = arith.subf %gather3A, %gather3A_181 : vector<16xf32>
          %gather3A_182 = tpu.vector_load_idx %arg19[%get3A_178] : memref<10000xf32, #tpu.memory_space<vmem>>[vector<16xi32>], vector<16xf32>,
          %gather3A_183 = tpu.vector_load_idx %arg19[%get3A_180] : memref<10000xf32, #tpu.memory_space<vmem>>[vector<16xi32>], vector<16xf32>,
          %sub3A_184 = arith.subf %gather3A_182, %gather3A_183 : vector<16xf32>
          %gather3A_185 = tpu.vector_load_idx %arg20[%get3A_178] : memref<10000xf32, #tpu.memory_space<vmem>>[vector<16xi32>], vector<16xf32>,
          %gather3A_186 = tpu.vector_load_idx %arg20[%get3A_180] : memref<10000xf32, #tpu.memory_space<vmem>>[vector<16xi32>], vector<16xf32>,
          %sub3A_187 = arith.subf %gather3A_185, %gather3A_186 : vector<16xf32>
          %swap3A = arith.constant 0 : i32
          %swap3A_188 = arith.index_cast %swap3A : i32 to index
          %swap3A_189 = arith.index_cast %mul3A_177 : i32 to index
          %swap3A_190 = tpu.vector_load %arg25[%swap3A_188, %swap3A_189] {strides = array<i32>} : memref<8x128xf32, #tpu.memory_space<vmem>>, vector<16xf32>,
          tpu.vector_store %arg25[%swap3A_188, %swap3A_189], %sub3A {strides = array<i32>} : memref<8x128xf32, #tpu.memory_space<vmem>>, vector<16xf32>,
          %swap3A_191 = arith.constant 1 : i32
          %swap3A_192 = arith.index_cast %swap3A_191 : i32 to index
          %swap3A_193 = arith.index_cast %mul3A_177 : i32 to index
          %swap3A_194 = tpu.vector_load %arg25[%swap3A_192, %swap3A_193] {strides = array<i32>} : memref<8x128xf32, #tpu.memory_space<vmem>>, vector<16xf32>,
          tpu.vector_store %arg25[%swap3A_192, %swap3A_193], %sub3A_184 {strides = array<i32>} : memref<8x128xf32, #tpu.memory_space<vmem>>, vector<16xf32>,
          %swap3A_195 = arith.constant 2 : i32
          %swap3A_196 = arith.index_cast %swap3A_195 : i32 to index
          %swap3A_197 = arith.index_cast %mul3A_177 : i32 to index
          %swap3A_198 = tpu.vector_load %arg25[%swap3A_196, %swap3A_197] {strides = array<i32>} : memref<8x128xf32, #tpu.memory_space<vmem>>, vector<16xf32>,
          tpu.vector_store %arg25[%swap3A_196, %swap3A_197], %sub3A_187 {strides = array<i32>} : memref<8x128xf32, #tpu.memory_space<vmem>>, vector<16xf32>,
          %mul3A_199 = arith.mulf %sub3A, %sub3A : vector<16xf32>
          %mul3A_200 = arith.mulf %sub3A_184, %sub3A_184 : vector<16xf32>
          %add3A_201 = arith.addf %mul3A_199, %mul3A_200 : vector<16xf32>
          %mul3A_202 = arith.mulf %sub3A_187, %sub3A_187 : vector<16xf32>
          %add3A_203 = arith.addf %add3A_201, %mul3A_202 : vector<16xf32>
          %swap3A_204 = arith.constant 3 : i32
          %swap3A_205 = arith.index_cast %swap3A_204 : i32 to index
          %swap3A_206 = arith.index_cast %mul3A_177 : i32 to index
          %swap3A_207 = tpu.vector_load %arg25[%swap3A_205, %swap3A_206] {strides = array<i32>} : memref<8x128xf32, #tpu.memory_space<vmem>>, vector<16xf32>,
          tpu.vector_store %arg25[%swap3A_205, %swap3A_206], %add3A_203 {strides = array<i32>} : memref<8x128xf32, #tpu.memory_space<vmem>>, vector<16xf32>,
          %and3A = arith.constant 31 : i32
          %and3A_208 = vector.broadcast %and3A : i32 to vector<16xi32>
          %and3A_209 = arith.andi %get3A_178, %and3A_208 : vector<16xi32>
          %convert_element_type3A_210 = arith.sitofp %and3A_209 : vector<16xi32> to vector<16xf32>
          %swap3A_211 = arith.constant 4 : i32
          %swap3A_212 = arith.index_cast %swap3A_211 : i32 to index
          %swap3A_213 = arith.index_cast %mul3A_177 : i32 to index
          %swap3A_214 = tpu.vector_load %arg25[%swap3A_212, %swap3A_213] {strides = array<i32>} : memref<8x128xf32, #tpu.memory_space<vmem>>, vector<16xf32>,
          tpu.vector_store %arg25[%swap3A_212, %swap3A_213], %convert_element_type3A_210 {strides = array<i32>} : memref<8x128xf32, #tpu.memory_space<vmem>>, vector<16xf32>,
        }
        %scan3A_157 = arith.constant 8 : i32
        %mul3A_158 = arith.constant 128 : i32
        %mul3A_159 = arith.muli %add3A_123, %mul3A_158 : i32
        %dma_start3A_160 = arith.constant 0 : i32
        %dma_start3A_161 = tpu.memref_slice %arg10[%dma_start3A_160, %mul3A_159] : memref<8x80000xf32, #tpu.memory_space<hbm>> -> memref<8x128xf32, #tpu.memory_space<hbm>>
        %dma_start3A_162 = arith.constant 0 : i32
        %dma_start3A_163 = tpu.memref_slice %arg10[%dma_start3A_162, %mul3A_159] : memref<8x80000xf32, #tpu.memory_space<hbm>> -> memref<8x128xf32, #tpu.memory_space<hbm>>
        tpu.enqueue_dma source(%arg25 : memref<8x128xf32, #tpu.memory_space<vmem>>) target(%dma_start3A_163 : memref<8x128xf32, #tpu.memory_space<hbm>>) target_semaphore(%arg39 : memref<!tpu.dma_semaphore, #tpu.memory_space<semaphore_mem>>)
        %add3A_164 = arith.constant 64 : i32
        %add3A_165 = arith.addi %add3A_123, %add3A_164 : i32
        %lt3A_166 = arith.constant 625 : i32
        %lt3A_167 = arith.cmpi slt, %add3A_165, %lt3A_166 : i32
        %convert_element_type3A_168 = arith.extui %lt3A_167 : i1 to i32
        %cond3A_169 = arith.constant 0 : i32
        %cond3A_170 = arith.cmpi ne, %convert_element_type3A_168, %cond3A_169 : i32
        scf.if %cond3A_170 {
          %add3A_171 = arith.constant 64 : i32
          %add3A_172 = arith.addi %add3A_123, %add3A_171 : i32
          %mul3A_173 = arith.constant 128 : i32
          %mul3A_174 = arith.muli %add3A_172, %mul3A_173 : i32
          %dma_start3A_175 = tpu.memref_slice %arg7[%mul3A_174] : memref<80000xi32, #tpu.memory_space<hbm>> -> memref<128xi32, #tpu.memory_space<hbm>>
          %dma_start3A_176 = tpu.memref_slice %arg7[%mul3A_174] : memref<80000xi32, #tpu.memory_space<hbm>> -> memref<128xi32, #tpu.memory_space<hbm>>
          tpu.enqueue_dma source(%dma_start3A_176 : memref<128xi32, #tpu.memory_space<hbm>>) target(%arg21 : memref<128xi32, #tpu.memory_space<vmem>>) target_semaphore(%arg41 : memref<!tpu.dma_semaphore, #tpu.memory_space<semaphore_mem>>)
          %dma_start3A_177 = tpu.memref_slice %arg8[%mul3A_174] : memref<80000xi32, #tpu.memory_space<hbm>> -> memref<128xi32, #tpu.memory_space<hbm>>
          %dma_start3A_178 = tpu.memref_slice %arg8[%mul3A_174] : memref<80000xi32, #tpu.memory_space<hbm>> -> memref<128xi32, #tpu.memory_space<hbm>>
          tpu.enqueue_dma source(%dma_start3A_178 : memref<128xi32, #tpu.memory_space<hbm>>) target(%arg23 : memref<128xi32, #tpu.memory_space<vmem>>) target_semaphore(%arg41 : memref<!tpu.dma_semaphore, #tpu.memory_space<semaphore_mem>>)
        } else {
        }
      } else {
      }
      %mul3A_129 = arith.constant 2 : i32
      %mul3A_130 = arith.muli %mul3A_129, %add3A_116 : i32
      %add3A_131 = arith.constant 1 : i32
      %add3A_132 = arith.addi %mul3A_130, %add3A_131 : i32
      %mul3A_133 = arith.constant 32 : i32
      %mul3A_134 = arith.muli %add3A_132, %mul3A_133 : i32
      %add3A_135 = arith.addi %add3A, %mul3A_134 : i32
      %lt3A_136 = arith.constant 625 : i32
      %lt3A_137 = arith.cmpi slt, %add3A_135, %lt3A_136 : i32
      %convert_element_type3A_138 = arith.extui %lt3A_137 : i1 to i32
      %cond3A_139 = arith.constant 0 : i32
      %cond3A_140 = arith.cmpi ne, %convert_element_type3A_138, %cond3A_139 : i32
      scf.if %cond3A_140 {
        %dma_wait3A_141 = arith.constant 0 : i32
        %dma_wait3A_142 = tpu.memref_slice %arg7[%dma_wait3A_141] : memref<80000xi32, #tpu.memory_space<hbm>> -> memref<128xi32, #tpu.memory_space<hbm>>
        %dma_wait3A_143 = arith.constant 0 : i32
        %dma_wait3A_144 = tpu.memref_slice %arg7[%dma_wait3A_143] : memref<80000xi32, #tpu.memory_space<hbm>> -> memref<128xi32, #tpu.memory_space<hbm>>
        tpu.wait_dma2 semaphore(%arg42 : memref<!tpu.dma_semaphore, #tpu.memory_space<semaphore_mem>>) src(%dma_wait3A_144 : memref<128xi32, #tpu.memory_space<hbm>>) dst(%arg22 : memref<128xi32, #tpu.memory_space<vmem>>)
        %dma_wait3A_145 = arith.constant 0 : i32
        %dma_wait3A_146 = tpu.memref_slice %arg8[%dma_wait3A_145] : memref<80000xi32, #tpu.memory_space<hbm>> -> memref<128xi32, #tpu.memory_space<hbm>>
        %dma_wait3A_147 = arith.constant 0 : i32
        %dma_wait3A_148 = tpu.memref_slice %arg8[%dma_wait3A_147] : memref<80000xi32, #tpu.memory_space<hbm>> -> memref<128xi32, #tpu.memory_space<hbm>>
        tpu.wait_dma2 semaphore(%arg42 : memref<!tpu.dma_semaphore, #tpu.memory_space<semaphore_mem>>) src(%dma_wait3A_148 : memref<128xi32, #tpu.memory_space<hbm>>) dst(%arg24 : memref<128xi32, #tpu.memory_space<vmem>>)
        %ge3A = arith.constant 2 : i32
        %ge3A_149 = arith.cmpi sge, %add3A_132, %ge3A : i32
        %convert_element_type3A_150 = arith.extui %ge3A_149 : i1 to i32
        %cond3A_151 = arith.constant 0 : i32
        %cond3A_152 = arith.cmpi ne, %convert_element_type3A_150, %cond3A_151 : i32
        scf.if %cond3A_152 {
          %dma_wait3A_171 = arith.constant 0 : i32
          %dma_wait3A_172 = arith.constant 0 : i32
          %dma_wait3A_173 = tpu.memref_slice %arg10[%dma_wait3A_171, %dma_wait3A_172] : memref<8x80000xf32, #tpu.memory_space<hbm>> -> memref<8x128xf32, #tpu.memory_space<hbm>>
          %dma_wait3A_174 = arith.constant 0 : i32
          %dma_wait3A_175 = arith.constant 0 : i32
          %dma_wait3A_176 = tpu.memref_slice %arg10[%dma_wait3A_174, %dma_wait3A_175] : memref<8x80000xf32, #tpu.memory_space<hbm>> -> memref<8x128xf32, #tpu.memory_space<hbm>>
          tpu.wait_dma2 semaphore(%arg40 : memref<!tpu.dma_semaphore, #tpu.memory_space<semaphore_mem>>) src(%arg26 : memref<8x128xf32, #tpu.memory_space<vmem>>) dst(%dma_wait3A_176 : memref<8x128xf32, #tpu.memory_space<hbm>>)
        } else {
        }
        %scan3A_153 = arith.constant 0 : i32
        %scan3A_154 = arith.constant 8 : i32
        %scan3A_155 = arith.addi %scan3A_153, %scan3A_154 : i32
        %scan3A_156 = arith.constant 1 : i32
        scf.for %scan3A_171 = %scan3A_153 to %scan3A_155 step %scan3A_156  : i32 {
          %mul3A_172 = arith.constant 1 : i32
          %mul3A_173 = arith.muli %scan3A_171, %mul3A_172 : i32
          %add3A_174 = arith.constant 0 : i32
          %add3A_175 = arith.addi %add3A_174, %mul3A_173 : i32
          %mul3A_176 = arith.constant 16 : i32
          %mul3A_177 = arith.muli %add3A_175, %mul3A_176 : i32
          %get3A = arith.index_cast %mul3A_177 : i32 to index
          %get3A_178 = tpu.vector_load %arg22[%get3A] {strides = array<i32>} : memref<128xi32, #tpu.memory_space<vmem>>, vector<16xi32>,
          %get3A_179 = arith.index_cast %mul3A_177 : i32 to index
          %get3A_180 = tpu.vector_load %arg24[%get3A_179] {strides = array<i32>} : memref<128xi32, #tpu.memory_space<vmem>>, vector<16xi32>,
          %gather3A = tpu.vector_load_idx %arg18[%get3A_178] : memref<10000xf32, #tpu.memory_space<vmem>>[vector<16xi32>], vector<16xf32>,
          %gather3A_181 = tpu.vector_load_idx %arg18[%get3A_180] : memref<10000xf32, #tpu.memory_space<vmem>>[vector<16xi32>], vector<16xf32>,
          %sub3A = arith.subf %gather3A, %gather3A_181 : vector<16xf32>
          %gather3A_182 = tpu.vector_load_idx %arg19[%get3A_178] : memref<10000xf32, #tpu.memory_space<vmem>>[vector<16xi32>], vector<16xf32>,
          %gather3A_183 = tpu.vector_load_idx %arg19[%get3A_180] : memref<10000xf32, #tpu.memory_space<vmem>>[vector<16xi32>], vector<16xf32>,
          %sub3A_184 = arith.subf %gather3A_182, %gather3A_183 : vector<16xf32>
          %gather3A_185 = tpu.vector_load_idx %arg20[%get3A_178] : memref<10000xf32, #tpu.memory_space<vmem>>[vector<16xi32>], vector<16xf32>,
          %gather3A_186 = tpu.vector_load_idx %arg20[%get3A_180] : memref<10000xf32, #tpu.memory_space<vmem>>[vector<16xi32>], vector<16xf32>,
          %sub3A_187 = arith.subf %gather3A_185, %gather3A_186 : vector<16xf32>
          %swap3A = arith.constant 0 : i32
          %swap3A_188 = arith.index_cast %swap3A : i32 to index
          %swap3A_189 = arith.index_cast %mul3A_177 : i32 to index
          %swap3A_190 = tpu.vector_load %arg26[%swap3A_188, %swap3A_189] {strides = array<i32>} : memref<8x128xf32, #tpu.memory_space<vmem>>, vector<16xf32>,
          tpu.vector_store %arg26[%swap3A_188, %swap3A_189], %sub3A {strides = array<i32>} : memref<8x128xf32, #tpu.memory_space<vmem>>, vector<16xf32>,
          %swap3A_191 = arith.constant 1 : i32
          %swap3A_192 = arith.index_cast %swap3A_191 : i32 to index
          %swap3A_193 = arith.index_cast %mul3A_177 : i32 to index
          %swap3A_194 = tpu.vector_load %arg26[%swap3A_192, %swap3A_193] {strides = array<i32>} : memref<8x128xf32, #tpu.memory_space<vmem>>, vector<16xf32>,
          tpu.vector_store %arg26[%swap3A_192, %swap3A_193], %sub3A_184 {strides = array<i32>} : memref<8x128xf32, #tpu.memory_space<vmem>>, vector<16xf32>,
          %swap3A_195 = arith.constant 2 : i32
          %swap3A_196 = arith.index_cast %swap3A_195 : i32 to index
          %swap3A_197 = arith.index_cast %mul3A_177 : i32 to index
          %swap3A_198 = tpu.vector_load %arg26[%swap3A_196, %swap3A_197] {strides = array<i32>} : memref<8x128xf32, #tpu.memory_space<vmem>>, vector<16xf32>,
          tpu.vector_store %arg26[%swap3A_196, %swap3A_197], %sub3A_187 {strides = array<i32>} : memref<8x128xf32, #tpu.memory_space<vmem>>, vector<16xf32>,
          %mul3A_199 = arith.mulf %sub3A, %sub3A : vector<16xf32>
          %mul3A_200 = arith.mulf %sub3A_184, %sub3A_184 : vector<16xf32>
          %add3A_201 = arith.addf %mul3A_199, %mul3A_200 : vector<16xf32>
          %mul3A_202 = arith.mulf %sub3A_187, %sub3A_187 : vector<16xf32>
          %add3A_203 = arith.addf %add3A_201, %mul3A_202 : vector<16xf32>
          %swap3A_204 = arith.constant 3 : i32
          %swap3A_205 = arith.index_cast %swap3A_204 : i32 to index
          %swap3A_206 = arith.index_cast %mul3A_177 : i32 to index
          %swap3A_207 = tpu.vector_load %arg26[%swap3A_205, %swap3A_206] {strides = array<i32>} : memref<8x128xf32, #tpu.memory_space<vmem>>, vector<16xf32>,
          tpu.vector_store %arg26[%swap3A_205, %swap3A_206], %add3A_203 {strides = array<i32>} : memref<8x128xf32, #tpu.memory_space<vmem>>, vector<16xf32>,
          %and3A = arith.constant 31 : i32
          %and3A_208 = vector.broadcast %and3A : i32 to vector<16xi32>
          %and3A_209 = arith.andi %get3A_178, %and3A_208 : vector<16xi32>
          %convert_element_type3A_210 = arith.sitofp %and3A_209 : vector<16xi32> to vector<16xf32>
          %swap3A_211 = arith.constant 4 : i32
          %swap3A_212 = arith.index_cast %swap3A_211 : i32 to index
          %swap3A_213 = arith.index_cast %mul3A_177 : i32 to index
          %swap3A_214 = tpu.vector_load %arg26[%swap3A_212, %swap3A_213] {strides = array<i32>} : memref<8x128xf32, #tpu.memory_space<vmem>>, vector<16xf32>,
          tpu.vector_store %arg26[%swap3A_212, %swap3A_213], %convert_element_type3A_210 {strides = array<i32>} : memref<8x128xf32, #tpu.memory_space<vmem>>, vector<16xf32>,
        }
        %scan3A_157 = arith.constant 8 : i32
        %mul3A_158 = arith.constant 128 : i32
        %mul3A_159 = arith.muli %add3A_135, %mul3A_158 : i32
        %dma_start3A_160 = arith.constant 0 : i32
        %dma_start3A_161 = tpu.memref_slice %arg10[%dma_start3A_160, %mul3A_159] : memref<8x80000xf32, #tpu.memory_space<hbm>> -> memref<8x128xf32, #tpu.memory_space<hbm>>
        %dma_start3A_162 = arith.constant 0 : i32
        %dma_start3A_163 = tpu.memref_slice %arg10[%dma_start3A_162, %mul3A_159] : memref<8x80000xf32, #tpu.memory_space<hbm>> -> memref<8x128xf32, #tpu.memory_space<hbm>>
        tpu.enqueue_dma source(%arg26 : memref<8x128xf32, #tpu.memory_space<vmem>>) target(%dma_start3A_163 : memref<8x128xf32, #tpu.memory_space<hbm>>) target_semaphore(%arg40 : memref<!tpu.dma_semaphore, #tpu.memory_space<semaphore_mem>>)
        %add3A_164 = arith.constant 64 : i32
        %add3A_165 = arith.addi %add3A_135, %add3A_164 : i32
        %lt3A_166 = arith.constant 625 : i32
        %lt3A_167 = arith.cmpi slt, %add3A_165, %lt3A_166 : i32
        %convert_element_type3A_168 = arith.extui %lt3A_167 : i1 to i32
        %cond3A_169 = arith.constant 0 : i32
        %cond3A_170 = arith.cmpi ne, %convert_element_type3A_168, %cond3A_169 : i32
        scf.if %cond3A_170 {
          %add3A_171 = arith.constant 64 : i32
          %add3A_172 = arith.addi %add3A_135, %add3A_171 : i32
          %mul3A_173 = arith.constant 128 : i32
          %mul3A_174 = arith.muli %add3A_172, %mul3A_173 : i32
          %dma_start3A_175 = tpu.memref_slice %arg7[%mul3A_174] : memref<80000xi32, #tpu.memory_space<hbm>> -> memref<128xi32, #tpu.memory_space<hbm>>
          %dma_start3A_176 = tpu.memref_slice %arg7[%mul3A_174] : memref<80000xi32, #tpu.memory_space<hbm>> -> memref<128xi32, #tpu.memory_space<hbm>>
          tpu.enqueue_dma source(%dma_start3A_176 : memref<128xi32, #tpu.memory_space<hbm>>) target(%arg22 : memref<128xi32, #tpu.memory_space<vmem>>) target_semaphore(%arg42 : memref<!tpu.dma_semaphore, #tpu.memory_space<semaphore_mem>>)
          %dma_start3A_177 = tpu.memref_slice %arg8[%mul3A_174] : memref<80000xi32, #tpu.memory_space<hbm>> -> memref<128xi32, #tpu.memory_space<hbm>>
          %dma_start3A_178 = tpu.memref_slice %arg8[%mul3A_174] : memref<80000xi32, #tpu.memory_space<hbm>> -> memref<128xi32, #tpu.memory_space<hbm>>
          tpu.enqueue_dma source(%dma_start3A_178 : memref<128xi32, #tpu.memory_space<hbm>>) target(%arg24 : memref<128xi32, #tpu.memory_space<vmem>>) target_semaphore(%arg42 : memref<!tpu.dma_semaphore, #tpu.memory_space<semaphore_mem>>)
        } else {
        }
      } else {
      }
    }
    %scan3A_26 = arith.constant 10 : i32
    %add3A_27 = arith.constant 0 : i32
    %add3A_28 = arith.addi %add3A, %add3A_27 : i32
    %lt3A_29 = arith.constant 625 : i32
    %lt3A_30 = arith.cmpi slt, %add3A_28, %lt3A_29 : i32
    %convert_element_type3A_31 = arith.extui %lt3A_30 : i1 to i32
    %cond3A_32 = arith.constant 0 : i32
    %cond3A_33 = arith.cmpi ne, %convert_element_type3A_31, %cond3A_32 : i32
    scf.if %cond3A_33 {
      %dma_wait3A_112 = arith.constant 0 : i32
      %dma_wait3A_113 = arith.constant 0 : i32
      %dma_wait3A_114 = tpu.memref_slice %arg10[%dma_wait3A_112, %dma_wait3A_113] : memref<8x80000xf32, #tpu.memory_space<hbm>> -> memref<8x128xf32, #tpu.memory_space<hbm>>
      %dma_wait3A_115 = arith.constant 0 : i32
      %dma_wait3A_116 = arith.constant 0 : i32
      %dma_wait3A_117 = tpu.memref_slice %arg10[%dma_wait3A_115, %dma_wait3A_116] : memref<8x80000xf32, #tpu.memory_space<hbm>> -> memref<8x128xf32, #tpu.memory_space<hbm>>
      tpu.wait_dma2 semaphore(%arg39 : memref<!tpu.dma_semaphore, #tpu.memory_space<semaphore_mem>>) src(%arg25 : memref<8x128xf32, #tpu.memory_space<vmem>>) dst(%dma_wait3A_117 : memref<8x128xf32, #tpu.memory_space<hbm>>)
    } else {
    }
    %add3A_34 = arith.constant 32 : i32
    %add3A_35 = arith.addi %add3A, %add3A_34 : i32
    %lt3A_36 = arith.constant 625 : i32
    %lt3A_37 = arith.cmpi slt, %add3A_35, %lt3A_36 : i32
    %convert_element_type3A_38 = arith.extui %lt3A_37 : i1 to i32
    %cond3A_39 = arith.constant 0 : i32
    %cond3A_40 = arith.cmpi ne, %convert_element_type3A_38, %cond3A_39 : i32
    scf.if %cond3A_40 {
      %dma_wait3A_112 = arith.constant 0 : i32
      %dma_wait3A_113 = arith.constant 0 : i32
      %dma_wait3A_114 = tpu.memref_slice %arg10[%dma_wait3A_112, %dma_wait3A_113] : memref<8x80000xf32, #tpu.memory_space<hbm>> -> memref<8x128xf32, #tpu.memory_space<hbm>>
      %dma_wait3A_115 = arith.constant 0 : i32
      %dma_wait3A_116 = arith.constant 0 : i32
      %dma_wait3A_117 = tpu.memref_slice %arg10[%dma_wait3A_115, %dma_wait3A_116] : memref<8x80000xf32, #tpu.memory_space<hbm>> -> memref<8x128xf32, #tpu.memory_space<hbm>>
      tpu.wait_dma2 semaphore(%arg40 : memref<!tpu.dma_semaphore, #tpu.memory_space<semaphore_mem>>) src(%arg26 : memref<8x128xf32, #tpu.memory_space<vmem>>) dst(%dma_wait3A_117 : memref<8x128xf32, #tpu.memory_space<hbm>>)
    } else {
    }
    %mul3A_41 = arith.constant 5000 : i32
    %mul3A_42 = arith.muli %add3A, %mul3A_41 : i32
    "tpu.region"() ({
      %run_scoped3A = tpu.sem_alloc : memref<!tpu.dma_semaphore, #tpu.memory_space<semaphore_mem>>
      %dma_start3A_112 = tpu.memref_slice %arg3[%mul3A_42] : memref<160000xi32, #tpu.memory_space<hbm>> -> memref<5000xi32, #tpu.memory_space<hbm>>
      %dma_start3A_113 = tpu.memref_slice %arg3[%mul3A_42] : memref<160000xi32, #tpu.memory_space<hbm>> -> memref<5000xi32, #tpu.memory_space<hbm>>
      tpu.enqueue_dma source(%dma_start3A_113 : memref<5000xi32, #tpu.memory_space<hbm>>) target(%arg11 : memref<5000xi32, #tpu.memory_space<vmem>>) target_semaphore(%run_scoped3A : memref<!tpu.dma_semaphore, #tpu.memory_space<semaphore_mem>>)
      %dma_wait3A_114 = tpu.memref_slice %arg3[%mul3A_42] : memref<160000xi32, #tpu.memory_space<hbm>> -> memref<5000xi32, #tpu.memory_space<hbm>>
      %dma_wait3A_115 = tpu.memref_slice %arg3[%mul3A_42] : memref<160000xi32, #tpu.memory_space<hbm>> -> memref<5000xi32, #tpu.memory_space<hbm>>
      tpu.wait_dma2 semaphore(%run_scoped3A : memref<!tpu.dma_semaphore, #tpu.memory_space<semaphore_mem>>) src(%dma_wait3A_115 : memref<5000xi32, #tpu.memory_space<hbm>>) dst(%arg11 : memref<5000xi32, #tpu.memory_space<vmem>>)
      tpu.yield
    }) : () -> ()
    %dma_start3A = arith.constant 0 : i32
    %dma_start3A_43 = tpu.memref_slice %arg11[%dma_start3A] : memref<5000xi32, #tpu.memory_space<vmem>> -> memref<40xi32, #tpu.memory_space<vmem>>
    %dma_start3A_44 = arith.constant 0 : i32
    %dma_start3A_45 = arith.constant 0 : i32
    %dma_start3A_46 = tpu.memref_slice %arg2[%dma_start3A_44, %dma_start3A_45] : memref<10000x128xf32, #tpu.memory_space<hbm>> -> memref<10000x128xf32, #tpu.memory_space<hbm>>
    tpu.enqueue_indirect_dma source(%dma_start3A_46 : memref<10000x128xf32, #tpu.memory_space<hbm>>) target(%arg12 : memref<40x128xf32, #tpu.memory_space<vmem>>) offsets(%dma_start3A_43 : memref<40xi32, #tpu.memory_space<vmem>>) semaphore(%arg27 : memref<!tpu.dma_semaphore, #tpu.memory_space<semaphore_mem>>)
    %dma_start3A_47 = arith.constant 40 : i32
    %dma_start3A_48 = tpu.memref_slice %arg11[%dma_start3A_47] : memref<5000xi32, #tpu.memory_space<vmem>> -> memref<40xi32, #tpu.memory_space<vmem>>
    %dma_start3A_49 = arith.constant 0 : i32
    %dma_start3A_50 = arith.constant 0 : i32
    %dma_start3A_51 = tpu.memref_slice %arg2[%dma_start3A_49, %dma_start3A_50] : memref<10000x128xf32, #tpu.memory_space<hbm>> -> memref<10000x128xf32, #tpu.memory_space<hbm>>
    tpu.enqueue_indirect_dma source(%dma_start3A_51 : memref<10000x128xf32, #tpu.memory_space<hbm>>) target(%arg13 : memref<40x128xf32, #tpu.memory_space<vmem>>) offsets(%dma_start3A_48 : memref<40xi32, #tpu.memory_space<vmem>>) semaphore(%arg28 : memref<!tpu.dma_semaphore, #tpu.memory_space<semaphore_mem>>)
    %dma_start3A_52 = arith.constant 80 : i32
    %dma_start3A_53 = tpu.memref_slice %arg11[%dma_start3A_52] : memref<5000xi32, #tpu.memory_space<vmem>> -> memref<40xi32, #tpu.memory_space<vmem>>
    %dma_start3A_54 = arith.constant 0 : i32
    %dma_start3A_55 = arith.constant 0 : i32
    %dma_start3A_56 = tpu.memref_slice %arg2[%dma_start3A_54, %dma_start3A_55] : memref<10000x128xf32, #tpu.memory_space<hbm>> -> memref<10000x128xf32, #tpu.memory_space<hbm>>
    tpu.enqueue_indirect_dma source(%dma_start3A_56 : memref<10000x128xf32, #tpu.memory_space<hbm>>) target(%arg14 : memref<40x128xf32, #tpu.memory_space<vmem>>) offsets(%dma_start3A_53 : memref<40xi32, #tpu.memory_space<vmem>>) semaphore(%arg29 : memref<!tpu.dma_semaphore, #tpu.memory_space<semaphore_mem>>)
    %dma_start3A_57 = arith.constant 120 : i32
    %dma_start3A_58 = tpu.memref_slice %arg11[%dma_start3A_57] : memref<5000xi32, #tpu.memory_space<vmem>> -> memref<40xi32, #tpu.memory_space<vmem>>
    %dma_start3A_59 = arith.constant 0 : i32
    %dma_start3A_60 = arith.constant 0 : i32
    %dma_start3A_61 = tpu.memref_slice %arg2[%dma_start3A_59, %dma_start3A_60] : memref<10000x128xf32, #tpu.memory_space<hbm>> -> memref<10000x128xf32, #tpu.memory_space<hbm>>
    tpu.enqueue_indirect_dma source(%dma_start3A_61 : memref<10000x128xf32, #tpu.memory_space<hbm>>) target(%arg15 : memref<40x128xf32, #tpu.memory_space<vmem>>) offsets(%dma_start3A_58 : memref<40xi32, #tpu.memory_space<vmem>>) semaphore(%arg30 : memref<!tpu.dma_semaphore, #tpu.memory_space<semaphore_mem>>)
    %dma_start3A_62 = arith.constant 160 : i32
    %dma_start3A_63 = tpu.memref_slice %arg11[%dma_start3A_62] : memref<5000xi32, #tpu.memory_space<vmem>> -> memref<40xi32, #tpu.memory_space<vmem>>
    %dma_start3A_64 = arith.constant 0 : i32
    %dma_start3A_65 = arith.constant 0 : i32
    %dma_start3A_66 = tpu.memref_slice %arg2[%dma_start3A_64, %dma_start3A_65] : memref<10000x128xf32, #tpu.memory_space<hbm>> -> memref<10000x128xf32, #tpu.memory_space<hbm>>
    tpu.enqueue_indirect_dma source(%dma_start3A_66 : memref<10000x128xf32, #tpu.memory_space<hbm>>) target(%arg16 : memref<40x128xf32, #tpu.memory_space<vmem>>) offsets(%dma_start3A_63 : memref<40xi32, #tpu.memory_space<vmem>>) semaphore(%arg31 : memref<!tpu.dma_semaphore, #tpu.memory_space<semaphore_mem>>)
    %dma_start3A_67 = arith.constant 200 : i32
    %dma_start3A_68 = tpu.memref_slice %arg11[%dma_start3A_67] : memref<5000xi32, #tpu.memory_space<vmem>> -> memref<40xi32, #tpu.memory_space<vmem>>
    %dma_start3A_69 = arith.constant 0 : i32
    %dma_start3A_70 = arith.constant 0 : i32
    %dma_start3A_71 = tpu.memref_slice %arg2[%dma_start3A_69, %dma_start3A_70] : memref<10000x128xf32, #tpu.memory_space<hbm>> -> memref<10000x128xf32, #tpu.memory_space<hbm>>
    tpu.enqueue_indirect_dma source(%dma_start3A_71 : memref<10000x128xf32, #tpu.memory_space<hbm>>) target(%arg17 : memref<40x128xf32, #tpu.memory_space<vmem>>) offsets(%dma_start3A_68 : memref<40xi32, #tpu.memory_space<vmem>>) semaphore(%arg32 : memref<!tpu.dma_semaphore, #tpu.memory_space<semaphore_mem>>)
    %scan3A_72 = arith.constant 0 : i32
    %scan3A_73 = arith.constant 21 : i32
    %scan3A_74 = arith.addi %scan3A_72, %scan3A_73 : i32
    %scan3A_75 = arith.constant 1 : i32
    scf.for %scan3A_112 = %scan3A_72 to %scan3A_74 step %scan3A_75  : i32 {
      %mul3A_113 = arith.constant 1 : i32
      %mul3A_114 = arith.muli %scan3A_112, %mul3A_113 : i32
      %add3A_115 = arith.constant 0 : i32
      %add3A_116 = arith.addi %add3A_115, %mul3A_114 : i32
      %mul3A_117 = arith.constant 6 : i32
      %mul3A_118 = arith.muli %add3A_116, %mul3A_117 : i32
      %add3A_119 = arith.constant 0 : i32
      %add3A_120 = arith.addi %mul3A_118, %add3A_119 : i32
      %lt3A_121 = arith.constant 125 : i32
      %lt3A_122 = arith.cmpi slt, %add3A_120, %lt3A_121 : i32
      %convert_element_type3A_123 = arith.extui %lt3A_122 : i1 to i32
      %cond3A_124 = arith.constant 0 : i32
      %cond3A_125 = arith.cmpi ne, %convert_element_type3A_123, %cond3A_124 : i32
      scf.if %cond3A_125 {
        %dma_wait3A_213 = arith.constant 0 : i32
        %dma_wait3A_214 = arith.constant 0 : i32
        %dma_wait3A_215 = tpu.memref_slice %arg2[%dma_wait3A_213, %dma_wait3A_214] : memref<10000x128xf32, #tpu.memory_space<hbm>> -> memref<40x128xf32, #tpu.memory_space<hbm>>
        %dma_wait3A_216 = arith.constant 0 : i32
        %dma_wait3A_217 = arith.constant 0 : i32
        %dma_wait3A_218 = tpu.memref_slice %arg2[%dma_wait3A_216, %dma_wait3A_217] : memref<10000x128xf32, #tpu.memory_space<hbm>> -> memref<40x128xf32, #tpu.memory_space<hbm>>
        tpu.wait_dma2 semaphore(%arg27 : memref<!tpu.dma_semaphore, #tpu.memory_space<semaphore_mem>>) src(%dma_wait3A_218 : memref<40x128xf32, #tpu.memory_space<hbm>>) dst(%arg12 : memref<40x128xf32, #tpu.memory_space<vmem>>)
        %mul3A_219 = arith.constant 40 : i32
        %mul3A_220 = arith.muli %add3A_120, %mul3A_219 : i32
        %add3A_221 = arith.addi %mul3A_42, %mul3A_220 : i32
        %dma_start3A_222 = arith.constant 0 : i32
        %dma_start3A_223 = tpu.memref_slice %arg9[%add3A_221, %dma_start3A_222] : memref<160000x128xf32, #tpu.memory_space<hbm>> -> memref<40x128xf32, #tpu.memory_space<hbm>>
        %dma_start3A_224 = arith.constant 0 : i32
        %dma_start3A_225 = tpu.memref_slice %arg9[%add3A_221, %dma_start3A_224] : memref<160000x128xf32, #tpu.memory_space<hbm>> -> memref<40x128xf32, #tpu.memory_space<hbm>>
        tpu.enqueue_dma source(%arg12 : memref<40x128xf32, #tpu.memory_space<vmem>>) target(%dma_start3A_225 : memref<40x128xf32, #tpu.memory_space<hbm>>) target_semaphore(%arg33 : memref<!tpu.dma_semaphore, #tpu.memory_space<semaphore_mem>>)
      } else {
      }
      %add3A_126 = arith.constant 6 : i32
      %add3A_127 = arith.addi %add3A_120, %add3A_126 : i32
      %lt3A_128 = arith.constant 125 : i32
      %lt3A_129 = arith.cmpi slt, %add3A_127, %lt3A_128 : i32
      %convert_element_type3A_130 = arith.extui %lt3A_129 : i1 to i32
      %cond3A_131 = arith.constant 0 : i32
      %cond3A_132 = arith.cmpi ne, %convert_element_type3A_130, %cond3A_131 : i32
      scf.if %cond3A_132 {
        %dma_wait3A_213 = arith.constant 0 : i32
        %dma_wait3A_214 = arith.constant 0 : i32
        %dma_wait3A_215 = tpu.memref_slice %arg9[%dma_wait3A_213, %dma_wait3A_214] : memref<160000x128xf32, #tpu.memory_space<hbm>> -> memref<40x128xf32, #tpu.memory_space<hbm>>
        %dma_wait3A_216 = arith.constant 0 : i32
        %dma_wait3A_217 = arith.constant 0 : i32
        %dma_wait3A_218 = tpu.memref_slice %arg9[%dma_wait3A_216, %dma_wait3A_217] : memref<160000x128xf32, #tpu.memory_space<hbm>> -> memref<40x128xf32, #tpu.memory_space<hbm>>
        tpu.wait_dma2 semaphore(%arg33 : memref<!tpu.dma_semaphore, #tpu.memory_space<semaphore_mem>>) src(%arg12 : memref<40x128xf32, #tpu.memory_space<vmem>>) dst(%dma_wait3A_218 : memref<40x128xf32, #tpu.memory_space<hbm>>)
        %add3A_219 = arith.constant 6 : i32
        %add3A_220 = arith.addi %add3A_120, %add3A_219 : i32
        %mul3A_221 = arith.constant 40 : i32
        %mul3A_222 = arith.muli %add3A_220, %mul3A_221 : i32
        %dma_start3A_223 = tpu.memref_slice %arg11[%mul3A_222] : memref<5000xi32, #tpu.memory_space<vmem>> -> memref<40xi32, #tpu.memory_space<vmem>>
        %dma_start3A_224 = arith.constant 0 : i32
        %dma_start3A_225 = arith.constant 0 : i32
        %dma_start3A_226 = tpu.memref_slice %arg2[%dma_start3A_224, %dma_start3A_225] : memref<10000x128xf32, #tpu.memory_space<hbm>> -> memref<10000x128xf32, #tpu.memory_space<hbm>>
        tpu.enqueue_indirect_dma source(%dma_start3A_226 : memref<10000x128xf32, #tpu.memory_space<hbm>>) target(%arg12 : memref<40x128xf32, #tpu.memory_space<vmem>>) offsets(%dma_start3A_223 : memref<40xi32, #tpu.memory_space<vmem>>) semaphore(%arg27 : memref<!tpu.dma_semaphore, #tpu.memory_space<semaphore_mem>>)
      } else {
      }
      %mul3A_133 = arith.constant 6 : i32
      %mul3A_134 = arith.muli %add3A_116, %mul3A_133 : i32
      %add3A_135 = arith.constant 1 : i32
      %add3A_136 = arith.addi %mul3A_134, %add3A_135 : i32
      %lt3A_137 = arith.constant 125 : i32
      %lt3A_138 = arith.cmpi slt, %add3A_136, %lt3A_137 : i32
      %convert_element_type3A_139 = arith.extui %lt3A_138 : i1 to i32
      %cond3A_140 = arith.constant 0 : i32
      %cond3A_141 = arith.cmpi ne, %convert_element_type3A_139, %cond3A_140 : i32
      scf.if %cond3A_141 {
        %dma_wait3A_213 = arith.constant 0 : i32
        %dma_wait3A_214 = arith.constant 0 : i32
        %dma_wait3A_215 = tpu.memref_slice %arg2[%dma_wait3A_213, %dma_wait3A_214] : memref<10000x128xf32, #tpu.memory_space<hbm>> -> memref<40x128xf32, #tpu.memory_space<hbm>>
        %dma_wait3A_216 = arith.constant 0 : i32
        %dma_wait3A_217 = arith.constant 0 : i32
        %dma_wait3A_218 = tpu.memref_slice %arg2[%dma_wait3A_216, %dma_wait3A_217] : memref<10000x128xf32, #tpu.memory_space<hbm>> -> memref<40x128xf32, #tpu.memory_space<hbm>>
        tpu.wait_dma2 semaphore(%arg28 : memref<!tpu.dma_semaphore, #tpu.memory_space<semaphore_mem>>) src(%dma_wait3A_218 : memref<40x128xf32, #tpu.memory_space<hbm>>) dst(%arg13 : memref<40x128xf32, #tpu.memory_space<vmem>>)
        %mul3A_219 = arith.constant 40 : i32
        %mul3A_220 = arith.muli %add3A_136, %mul3A_219 : i32
        %add3A_221 = arith.addi %mul3A_42, %mul3A_220 : i32
        %dma_start3A_222 = arith.constant 0 : i32
        %dma_start3A_223 = tpu.memref_slice %arg9[%add3A_221, %dma_start3A_222] : memref<160000x128xf32, #tpu.memory_space<hbm>> -> memref<40x128xf32, #tpu.memory_space<hbm>>
        %dma_start3A_224 = arith.constant 0 : i32
        %dma_start3A_225 = tpu.memref_slice %arg9[%add3A_221, %dma_start3A_224] : memref<160000x128xf32, #tpu.memory_space<hbm>> -> memref<40x128xf32, #tpu.memory_space<hbm>>
        tpu.enqueue_dma source(%arg13 : memref<40x128xf32, #tpu.memory_space<vmem>>) target(%dma_start3A_225 : memref<40x128xf32, #tpu.memory_space<hbm>>) target_semaphore(%arg34 : memref<!tpu.dma_semaphore, #tpu.memory_space<semaphore_mem>>)
      } else {
      }
      %add3A_142 = arith.constant 6 : i32
      %add3A_143 = arith.addi %add3A_136, %add3A_142 : i32
      %lt3A_144 = arith.constant 125 : i32
      %lt3A_145 = arith.cmpi slt, %add3A_143, %lt3A_144 : i32
      %convert_element_type3A_146 = arith.extui %lt3A_145 : i1 to i32
      %cond3A_147 = arith.constant 0 : i32
      %cond3A_148 = arith.cmpi ne, %convert_element_type3A_146, %cond3A_147 : i32
      scf.if %cond3A_148 {
        %dma_wait3A_213 = arith.constant 0 : i32
        %dma_wait3A_214 = arith.constant 0 : i32
        %dma_wait3A_215 = tpu.memref_slice %arg9[%dma_wait3A_213, %dma_wait3A_214] : memref<160000x128xf32, #tpu.memory_space<hbm>> -> memref<40x128xf32, #tpu.memory_space<hbm>>
        %dma_wait3A_216 = arith.constant 0 : i32
        %dma_wait3A_217 = arith.constant 0 : i32
        %dma_wait3A_218 = tpu.memref_slice %arg9[%dma_wait3A_216, %dma_wait3A_217] : memref<160000x128xf32, #tpu.memory_space<hbm>> -> memref<40x128xf32, #tpu.memory_space<hbm>>
        tpu.wait_dma2 semaphore(%arg34 : memref<!tpu.dma_semaphore, #tpu.memory_space<semaphore_mem>>) src(%arg13 : memref<40x128xf32, #tpu.memory_space<vmem>>) dst(%dma_wait3A_218 : memref<40x128xf32, #tpu.memory_space<hbm>>)
        %add3A_219 = arith.constant 6 : i32
        %add3A_220 = arith.addi %add3A_136, %add3A_219 : i32
        %mul3A_221 = arith.constant 40 : i32
        %mul3A_222 = arith.muli %add3A_220, %mul3A_221 : i32
        %dma_start3A_223 = tpu.memref_slice %arg11[%mul3A_222] : memref<5000xi32, #tpu.memory_space<vmem>> -> memref<40xi32, #tpu.memory_space<vmem>>
        %dma_start3A_224 = arith.constant 0 : i32
        %dma_start3A_225 = arith.constant 0 : i32
        %dma_start3A_226 = tpu.memref_slice %arg2[%dma_start3A_224, %dma_start3A_225] : memref<10000x128xf32, #tpu.memory_space<hbm>> -> memref<10000x128xf32, #tpu.memory_space<hbm>>
        tpu.enqueue_indirect_dma source(%dma_start3A_226 : memref<10000x128xf32, #tpu.memory_space<hbm>>) target(%arg13 : memref<40x128xf32, #tpu.memory_space<vmem>>) offsets(%dma_start3A_223 : memref<40xi32, #tpu.memory_space<vmem>>) semaphore(%arg28 : memref<!tpu.dma_semaphore, #tpu.memory_space<semaphore_mem>>)
      } else {
      }
      %mul3A_149 = arith.constant 6 : i32
      %mul3A_150 = arith.muli %add3A_116, %mul3A_149 : i32
      %add3A_151 = arith.constant 2 : i32
      %add3A_152 = arith.addi %mul3A_150, %add3A_151 : i32
      %lt3A_153 = arith.constant 125 : i32
      %lt3A_154 = arith.cmpi slt, %add3A_152, %lt3A_153 : i32
      %convert_element_type3A_155 = arith.extui %lt3A_154 : i1 to i32
      %cond3A_156 = arith.constant 0 : i32
      %cond3A_157 = arith.cmpi ne, %convert_element_type3A_155, %cond3A_156 : i32
      scf.if %cond3A_157 {
        %dma_wait3A_213 = arith.constant 0 : i32
        %dma_wait3A_214 = arith.constant 0 : i32
        %dma_wait3A_215 = tpu.memref_slice %arg2[%dma_wait3A_213, %dma_wait3A_214] : memref<10000x128xf32, #tpu.memory_space<hbm>> -> memref<40x128xf32, #tpu.memory_space<hbm>>
        %dma_wait3A_216 = arith.constant 0 : i32
        %dma_wait3A_217 = arith.constant 0 : i32
        %dma_wait3A_218 = tpu.memref_slice %arg2[%dma_wait3A_216, %dma_wait3A_217] : memref<10000x128xf32, #tpu.memory_space<hbm>> -> memref<40x128xf32, #tpu.memory_space<hbm>>
        tpu.wait_dma2 semaphore(%arg29 : memref<!tpu.dma_semaphore, #tpu.memory_space<semaphore_mem>>) src(%dma_wait3A_218 : memref<40x128xf32, #tpu.memory_space<hbm>>) dst(%arg14 : memref<40x128xf32, #tpu.memory_space<vmem>>)
        %mul3A_219 = arith.constant 40 : i32
        %mul3A_220 = arith.muli %add3A_152, %mul3A_219 : i32
        %add3A_221 = arith.addi %mul3A_42, %mul3A_220 : i32
        %dma_start3A_222 = arith.constant 0 : i32
        %dma_start3A_223 = tpu.memref_slice %arg9[%add3A_221, %dma_start3A_222] : memref<160000x128xf32, #tpu.memory_space<hbm>> -> memref<40x128xf32, #tpu.memory_space<hbm>>
        %dma_start3A_224 = arith.constant 0 : i32
        %dma_start3A_225 = tpu.memref_slice %arg9[%add3A_221, %dma_start3A_224] : memref<160000x128xf32, #tpu.memory_space<hbm>> -> memref<40x128xf32, #tpu.memory_space<hbm>>
        tpu.enqueue_dma source(%arg14 : memref<40x128xf32, #tpu.memory_space<vmem>>) target(%dma_start3A_225 : memref<40x128xf32, #tpu.memory_space<hbm>>) target_semaphore(%arg35 : memref<!tpu.dma_semaphore, #tpu.memory_space<semaphore_mem>>)
      } else {
      }
      %add3A_158 = arith.constant 6 : i32
      %add3A_159 = arith.addi %add3A_152, %add3A_158 : i32
      %lt3A_160 = arith.constant 125 : i32
      %lt3A_161 = arith.cmpi slt, %add3A_159, %lt3A_160 : i32
      %convert_element_type3A_162 = arith.extui %lt3A_161 : i1 to i32
      %cond3A_163 = arith.constant 0 : i32
      %cond3A_164 = arith.cmpi ne, %convert_element_type3A_162, %cond3A_163 : i32
      scf.if %cond3A_164 {
        %dma_wait3A_213 = arith.constant 0 : i32
        %dma_wait3A_214 = arith.constant 0 : i32
        %dma_wait3A_215 = tpu.memref_slice %arg9[%dma_wait3A_213, %dma_wait3A_214] : memref<160000x128xf32, #tpu.memory_space<hbm>> -> memref<40x128xf32, #tpu.memory_space<hbm>>
        %dma_wait3A_216 = arith.constant 0 : i32
        %dma_wait3A_217 = arith.constant 0 : i32
        %dma_wait3A_218 = tpu.memref_slice %arg9[%dma_wait3A_216, %dma_wait3A_217] : memref<160000x128xf32, #tpu.memory_space<hbm>> -> memref<40x128xf32, #tpu.memory_space<hbm>>
        tpu.wait_dma2 semaphore(%arg35 : memref<!tpu.dma_semaphore, #tpu.memory_space<semaphore_mem>>) src(%arg14 : memref<40x128xf32, #tpu.memory_space<vmem>>) dst(%dma_wait3A_218 : memref<40x128xf32, #tpu.memory_space<hbm>>)
        %add3A_219 = arith.constant 6 : i32
        %add3A_220 = arith.addi %add3A_152, %add3A_219 : i32
        %mul3A_221 = arith.constant 40 : i32
        %mul3A_222 = arith.muli %add3A_220, %mul3A_221 : i32
        %dma_start3A_223 = tpu.memref_slice %arg11[%mul3A_222] : memref<5000xi32, #tpu.memory_space<vmem>> -> memref<40xi32, #tpu.memory_space<vmem>>
        %dma_start3A_224 = arith.constant 0 : i32
        %dma_start3A_225 = arith.constant 0 : i32
        %dma_start3A_226 = tpu.memref_slice %arg2[%dma_start3A_224, %dma_start3A_225] : memref<10000x128xf32, #tpu.memory_space<hbm>> -> memref<10000x128xf32, #tpu.memory_space<hbm>>
        tpu.enqueue_indirect_dma source(%dma_start3A_226 : memref<10000x128xf32, #tpu.memory_space<hbm>>) target(%arg14 : memref<40x128xf32, #tpu.memory_space<vmem>>) offsets(%dma_start3A_223 : memref<40xi32, #tpu.memory_space<vmem>>) semaphore(%arg29 : memref<!tpu.dma_semaphore, #tpu.memory_space<semaphore_mem>>)
      } else {
      }
      %mul3A_165 = arith.constant 6 : i32
      %mul3A_166 = arith.muli %add3A_116, %mul3A_165 : i32
      %add3A_167 = arith.constant 3 : i32
      %add3A_168 = arith.addi %mul3A_166, %add3A_167 : i32
      %lt3A_169 = arith.constant 125 : i32
      %lt3A_170 = arith.cmpi slt, %add3A_168, %lt3A_169 : i32
      %convert_element_type3A_171 = arith.extui %lt3A_170 : i1 to i32
      %cond3A_172 = arith.constant 0 : i32
      %cond3A_173 = arith.cmpi ne, %convert_element_type3A_171, %cond3A_172 : i32
      scf.if %cond3A_173 {
        %dma_wait3A_213 = arith.constant 0 : i32
        %dma_wait3A_214 = arith.constant 0 : i32
        %dma_wait3A_215 = tpu.memref_slice %arg2[%dma_wait3A_213, %dma_wait3A_214] : memref<10000x128xf32, #tpu.memory_space<hbm>> -> memref<40x128xf32, #tpu.memory_space<hbm>>
        %dma_wait3A_216 = arith.constant 0 : i32
        %dma_wait3A_217 = arith.constant 0 : i32
        %dma_wait3A_218 = tpu.memref_slice %arg2[%dma_wait3A_216, %dma_wait3A_217] : memref<10000x128xf32, #tpu.memory_space<hbm>> -> memref<40x128xf32, #tpu.memory_space<hbm>>
        tpu.wait_dma2 semaphore(%arg30 : memref<!tpu.dma_semaphore, #tpu.memory_space<semaphore_mem>>) src(%dma_wait3A_218 : memref<40x128xf32, #tpu.memory_space<hbm>>) dst(%arg15 : memref<40x128xf32, #tpu.memory_space<vmem>>)
        %mul3A_219 = arith.constant 40 : i32
        %mul3A_220 = arith.muli %add3A_168, %mul3A_219 : i32
        %add3A_221 = arith.addi %mul3A_42, %mul3A_220 : i32
        %dma_start3A_222 = arith.constant 0 : i32
        %dma_start3A_223 = tpu.memref_slice %arg9[%add3A_221, %dma_start3A_222] : memref<160000x128xf32, #tpu.memory_space<hbm>> -> memref<40x128xf32, #tpu.memory_space<hbm>>
        %dma_start3A_224 = arith.constant 0 : i32
        %dma_start3A_225 = tpu.memref_slice %arg9[%add3A_221, %dma_start3A_224] : memref<160000x128xf32, #tpu.memory_space<hbm>> -> memref<40x128xf32, #tpu.memory_space<hbm>>
        tpu.enqueue_dma source(%arg15 : memref<40x128xf32, #tpu.memory_space<vmem>>) target(%dma_start3A_225 : memref<40x128xf32, #tpu.memory_space<hbm>>) target_semaphore(%arg36 : memref<!tpu.dma_semaphore, #tpu.memory_space<semaphore_mem>>)
      } else {
      }
      %add3A_174 = arith.constant 6 : i32
      %add3A_175 = arith.addi %add3A_168, %add3A_174 : i32
      %lt3A_176 = arith.constant 125 : i32
      %lt3A_177 = arith.cmpi slt, %add3A_175, %lt3A_176 : i32
      %convert_element_type3A_178 = arith.extui %lt3A_177 : i1 to i32
      %cond3A_179 = arith.constant 0 : i32
      %cond3A_180 = arith.cmpi ne, %convert_element_type3A_178, %cond3A_179 : i32
      scf.if %cond3A_180 {
        %dma_wait3A_213 = arith.constant 0 : i32
        %dma_wait3A_214 = arith.constant 0 : i32
        %dma_wait3A_215 = tpu.memref_slice %arg9[%dma_wait3A_213, %dma_wait3A_214] : memref<160000x128xf32, #tpu.memory_space<hbm>> -> memref<40x128xf32, #tpu.memory_space<hbm>>
        %dma_wait3A_216 = arith.constant 0 : i32
        %dma_wait3A_217 = arith.constant 0 : i32
        %dma_wait3A_218 = tpu.memref_slice %arg9[%dma_wait3A_216, %dma_wait3A_217] : memref<160000x128xf32, #tpu.memory_space<hbm>> -> memref<40x128xf32, #tpu.memory_space<hbm>>
        tpu.wait_dma2 semaphore(%arg36 : memref<!tpu.dma_semaphore, #tpu.memory_space<semaphore_mem>>) src(%arg15 : memref<40x128xf32, #tpu.memory_space<vmem>>) dst(%dma_wait3A_218 : memref<40x128xf32, #tpu.memory_space<hbm>>)
        %add3A_219 = arith.constant 6 : i32
        %add3A_220 = arith.addi %add3A_168, %add3A_219 : i32
        %mul3A_221 = arith.constant 40 : i32
        %mul3A_222 = arith.muli %add3A_220, %mul3A_221 : i32
        %dma_start3A_223 = tpu.memref_slice %arg11[%mul3A_222] : memref<5000xi32, #tpu.memory_space<vmem>> -> memref<40xi32, #tpu.memory_space<vmem>>
        %dma_start3A_224 = arith.constant 0 : i32
        %dma_start3A_225 = arith.constant 0 : i32
        %dma_start3A_226 = tpu.memref_slice %arg2[%dma_start3A_224, %dma_start3A_225] : memref<10000x128xf32, #tpu.memory_space<hbm>> -> memref<10000x128xf32, #tpu.memory_space<hbm>>
        tpu.enqueue_indirect_dma source(%dma_start3A_226 : memref<10000x128xf32, #tpu.memory_space<hbm>>) target(%arg15 : memref<40x128xf32, #tpu.memory_space<vmem>>) offsets(%dma_start3A_223 : memref<40xi32, #tpu.memory_space<vmem>>) semaphore(%arg30 : memref<!tpu.dma_semaphore, #tpu.memory_space<semaphore_mem>>)
      } else {
      }
      %mul3A_181 = arith.constant 6 : i32
      %mul3A_182 = arith.muli %add3A_116, %mul3A_181 : i32
      %add3A_183 = arith.constant 4 : i32
      %add3A_184 = arith.addi %mul3A_182, %add3A_183 : i32
      %lt3A_185 = arith.constant 125 : i32
      %lt3A_186 = arith.cmpi slt, %add3A_184, %lt3A_185 : i32
      %convert_element_type3A_187 = arith.extui %lt3A_186 : i1 to i32
      %cond3A_188 = arith.constant 0 : i32
      %cond3A_189 = arith.cmpi ne, %convert_element_type3A_187, %cond3A_188 : i32
      scf.if %cond3A_189 {
        %dma_wait3A_213 = arith.constant 0 : i32
        %dma_wait3A_214 = arith.constant 0 : i32
        %dma_wait3A_215 = tpu.memref_slice %arg2[%dma_wait3A_213, %dma_wait3A_214] : memref<10000x128xf32, #tpu.memory_space<hbm>> -> memref<40x128xf32, #tpu.memory_space<hbm>>
        %dma_wait3A_216 = arith.constant 0 : i32
        %dma_wait3A_217 = arith.constant 0 : i32
        %dma_wait3A_218 = tpu.memref_slice %arg2[%dma_wait3A_216, %dma_wait3A_217] : memref<10000x128xf32, #tpu.memory_space<hbm>> -> memref<40x128xf32, #tpu.memory_space<hbm>>
        tpu.wait_dma2 semaphore(%arg31 : memref<!tpu.dma_semaphore, #tpu.memory_space<semaphore_mem>>) src(%dma_wait3A_218 : memref<40x128xf32, #tpu.memory_space<hbm>>) dst(%arg16 : memref<40x128xf32, #tpu.memory_space<vmem>>)
        %mul3A_219 = arith.constant 40 : i32
        %mul3A_220 = arith.muli %add3A_184, %mul3A_219 : i32
        %add3A_221 = arith.addi %mul3A_42, %mul3A_220 : i32
        %dma_start3A_222 = arith.constant 0 : i32
        %dma_start3A_223 = tpu.memref_slice %arg9[%add3A_221, %dma_start3A_222] : memref<160000x128xf32, #tpu.memory_space<hbm>> -> memref<40x128xf32, #tpu.memory_space<hbm>>
        %dma_start3A_224 = arith.constant 0 : i32
        %dma_start3A_225 = tpu.memref_slice %arg9[%add3A_221, %dma_start3A_224] : memref<160000x128xf32, #tpu.memory_space<hbm>> -> memref<40x128xf32, #tpu.memory_space<hbm>>
        tpu.enqueue_dma source(%arg16 : memref<40x128xf32, #tpu.memory_space<vmem>>) target(%dma_start3A_225 : memref<40x128xf32, #tpu.memory_space<hbm>>) target_semaphore(%arg37 : memref<!tpu.dma_semaphore, #tpu.memory_space<semaphore_mem>>)
      } else {
      }
      %add3A_190 = arith.constant 6 : i32
      %add3A_191 = arith.addi %add3A_184, %add3A_190 : i32
      %lt3A_192 = arith.constant 125 : i32
      %lt3A_193 = arith.cmpi slt, %add3A_191, %lt3A_192 : i32
      %convert_element_type3A_194 = arith.extui %lt3A_193 : i1 to i32
      %cond3A_195 = arith.constant 0 : i32
      %cond3A_196 = arith.cmpi ne, %convert_element_type3A_194, %cond3A_195 : i32
      scf.if %cond3A_196 {
        %dma_wait3A_213 = arith.constant 0 : i32
        %dma_wait3A_214 = arith.constant 0 : i32
        %dma_wait3A_215 = tpu.memref_slice %arg9[%dma_wait3A_213, %dma_wait3A_214] : memref<160000x128xf32, #tpu.memory_space<hbm>> -> memref<40x128xf32, #tpu.memory_space<hbm>>
        %dma_wait3A_216 = arith.constant 0 : i32
        %dma_wait3A_217 = arith.constant 0 : i32
        %dma_wait3A_218 = tpu.memref_slice %arg9[%dma_wait3A_216, %dma_wait3A_217] : memref<160000x128xf32, #tpu.memory_space<hbm>> -> memref<40x128xf32, #tpu.memory_space<hbm>>
        tpu.wait_dma2 semaphore(%arg37 : memref<!tpu.dma_semaphore, #tpu.memory_space<semaphore_mem>>) src(%arg16 : memref<40x128xf32, #tpu.memory_space<vmem>>) dst(%dma_wait3A_218 : memref<40x128xf32, #tpu.memory_space<hbm>>)
        %add3A_219 = arith.constant 6 : i32
        %add3A_220 = arith.addi %add3A_184, %add3A_219 : i32
        %mul3A_221 = arith.constant 40 : i32
        %mul3A_222 = arith.muli %add3A_220, %mul3A_221 : i32
        %dma_start3A_223 = tpu.memref_slice %arg11[%mul3A_222] : memref<5000xi32, #tpu.memory_space<vmem>> -> memref<40xi32, #tpu.memory_space<vmem>>
        %dma_start3A_224 = arith.constant 0 : i32
        %dma_start3A_225 = arith.constant 0 : i32
        %dma_start3A_226 = tpu.memref_slice %arg2[%dma_start3A_224, %dma_start3A_225] : memref<10000x128xf32, #tpu.memory_space<hbm>> -> memref<10000x128xf32, #tpu.memory_space<hbm>>
        tpu.enqueue_indirect_dma source(%dma_start3A_226 : memref<10000x128xf32, #tpu.memory_space<hbm>>) target(%arg16 : memref<40x128xf32, #tpu.memory_space<vmem>>) offsets(%dma_start3A_223 : memref<40xi32, #tpu.memory_space<vmem>>) semaphore(%arg31 : memref<!tpu.dma_semaphore, #tpu.memory_space<semaphore_mem>>)
      } else {
      }
      %mul3A_197 = arith.constant 6 : i32
      %mul3A_198 = arith.muli %add3A_116, %mul3A_197 : i32
      %add3A_199 = arith.constant 5 : i32
      %add3A_200 = arith.addi %mul3A_198, %add3A_199 : i32
      %lt3A_201 = arith.constant 125 : i32
      %lt3A_202 = arith.cmpi slt, %add3A_200, %lt3A_201 : i32
      %convert_element_type3A_203 = arith.extui %lt3A_202 : i1 to i32
      %cond3A_204 = arith.constant 0 : i32
      %cond3A_205 = arith.cmpi ne, %convert_element_type3A_203, %cond3A_204 : i32
      scf.if %cond3A_205 {
        %dma_wait3A_213 = arith.constant 0 : i32
        %dma_wait3A_214 = arith.constant 0 : i32
        %dma_wait3A_215 = tpu.memref_slice %arg2[%dma_wait3A_213, %dma_wait3A_214] : memref<10000x128xf32, #tpu.memory_space<hbm>> -> memref<40x128xf32, #tpu.memory_space<hbm>>
        %dma_wait3A_216 = arith.constant 0 : i32
        %dma_wait3A_217 = arith.constant 0 : i32
        %dma_wait3A_218 = tpu.memref_slice %arg2[%dma_wait3A_216, %dma_wait3A_217] : memref<10000x128xf32, #tpu.memory_space<hbm>> -> memref<40x128xf32, #tpu.memory_space<hbm>>
        tpu.wait_dma2 semaphore(%arg32 : memref<!tpu.dma_semaphore, #tpu.memory_space<semaphore_mem>>) src(%dma_wait3A_218 : memref<40x128xf32, #tpu.memory_space<hbm>>) dst(%arg17 : memref<40x128xf32, #tpu.memory_space<vmem>>)
        %mul3A_219 = arith.constant 40 : i32
        %mul3A_220 = arith.muli %add3A_200, %mul3A_219 : i32
        %add3A_221 = arith.addi %mul3A_42, %mul3A_220 : i32
        %dma_start3A_222 = arith.constant 0 : i32
        %dma_start3A_223 = tpu.memref_slice %arg9[%add3A_221, %dma_start3A_222] : memref<160000x128xf32, #tpu.memory_space<hbm>> -> memref<40x128xf32, #tpu.memory_space<hbm>>
        %dma_start3A_224 = arith.constant 0 : i32
        %dma_start3A_225 = tpu.memref_slice %arg9[%add3A_221, %dma_start3A_224] : memref<160000x128xf32, #tpu.memory_space<hbm>> -> memref<40x128xf32, #tpu.memory_space<hbm>>
        tpu.enqueue_dma source(%arg17 : memref<40x128xf32, #tpu.memory_space<vmem>>) target(%dma_start3A_225 : memref<40x128xf32, #tpu.memory_space<hbm>>) target_semaphore(%arg38 : memref<!tpu.dma_semaphore, #tpu.memory_space<semaphore_mem>>)
      } else {
      }
      %add3A_206 = arith.constant 6 : i32
      %add3A_207 = arith.addi %add3A_200, %add3A_206 : i32
      %lt3A_208 = arith.constant 125 : i32
      %lt3A_209 = arith.cmpi slt, %add3A_207, %lt3A_208 : i32
      %convert_element_type3A_210 = arith.extui %lt3A_209 : i1 to i32
      %cond3A_211 = arith.constant 0 : i32
      %cond3A_212 = arith.cmpi ne, %convert_element_type3A_210, %cond3A_211 : i32
      scf.if %cond3A_212 {
        %dma_wait3A_213 = arith.constant 0 : i32
        %dma_wait3A_214 = arith.constant 0 : i32
        %dma_wait3A_215 = tpu.memref_slice %arg9[%dma_wait3A_213, %dma_wait3A_214] : memref<160000x128xf32, #tpu.memory_space<hbm>> -> memref<40x128xf32, #tpu.memory_space<hbm>>
        %dma_wait3A_216 = arith.constant 0 : i32
        %dma_wait3A_217 = arith.constant 0 : i32
        %dma_wait3A_218 = tpu.memref_slice %arg9[%dma_wait3A_216, %dma_wait3A_217] : memref<160000x128xf32, #tpu.memory_space<hbm>> -> memref<40x128xf32, #tpu.memory_space<hbm>>
        tpu.wait_dma2 semaphore(%arg38 : memref<!tpu.dma_semaphore, #tpu.memory_space<semaphore_mem>>) src(%arg17 : memref<40x128xf32, #tpu.memory_space<vmem>>) dst(%dma_wait3A_218 : memref<40x128xf32, #tpu.memory_space<hbm>>)
        %add3A_219 = arith.constant 6 : i32
        %add3A_220 = arith.addi %add3A_200, %add3A_219 : i32
        %mul3A_221 = arith.constant 40 : i32
        %mul3A_222 = arith.muli %add3A_220, %mul3A_221 : i32
        %dma_start3A_223 = tpu.memref_slice %arg11[%mul3A_222] : memref<5000xi32, #tpu.memory_space<vmem>> -> memref<40xi32, #tpu.memory_space<vmem>>
        %dma_start3A_224 = arith.constant 0 : i32
        %dma_start3A_225 = arith.constant 0 : i32
        %dma_start3A_226 = tpu.memref_slice %arg2[%dma_start3A_224, %dma_start3A_225] : memref<10000x128xf32, #tpu.memory_space<hbm>> -> memref<10000x128xf32, #tpu.memory_space<hbm>>
        tpu.enqueue_indirect_dma source(%dma_start3A_226 : memref<10000x128xf32, #tpu.memory_space<hbm>>) target(%arg17 : memref<40x128xf32, #tpu.memory_space<vmem>>) offsets(%dma_start3A_223 : memref<40xi32, #tpu.memory_space<vmem>>) semaphore(%arg32 : memref<!tpu.dma_semaphore, #tpu.memory_space<semaphore_mem>>)
      } else {
      }
    }
    %scan3A_76 = arith.constant 21 : i32
    %dma_wait3A = arith.constant 0 : i32
    %dma_wait3A_77 = arith.constant 0 : i32
    %dma_wait3A_78 = tpu.memref_slice %arg9[%dma_wait3A, %dma_wait3A_77] : memref<160000x128xf32, #tpu.memory_space<hbm>> -> memref<40x128xf32, #tpu.memory_space<hbm>>
    %dma_wait3A_79 = arith.constant 0 : i32
    %dma_wait3A_80 = arith.constant 0 : i32
    %dma_wait3A_81 = tpu.memref_slice %arg9[%dma_wait3A_79, %dma_wait3A_80] : memref<160000x128xf32, #tpu.memory_space<hbm>> -> memref<40x128xf32, #tpu.memory_space<hbm>>
    tpu.wait_dma2 semaphore(%arg33 : memref<!tpu.dma_semaphore, #tpu.memory_space<semaphore_mem>>) src(%arg12 : memref<40x128xf32, #tpu.memory_space<vmem>>) dst(%dma_wait3A_81 : memref<40x128xf32, #tpu.memory_space<hbm>>)
    %dma_wait3A_82 = arith.constant 0 : i32
    %dma_wait3A_83 = arith.constant 0 : i32
    %dma_wait3A_84 = tpu.memref_slice %arg9[%dma_wait3A_82, %dma_wait3A_83] : memref<160000x128xf32, #tpu.memory_space<hbm>> -> memref<40x128xf32, #tpu.memory_space<hbm>>
    %dma_wait3A_85 = arith.constant 0 : i32
    %dma_wait3A_86 = arith.constant 0 : i32
    %dma_wait3A_87 = tpu.memref_slice %arg9[%dma_wait3A_85, %dma_wait3A_86] : memref<160000x128xf32, #tpu.memory_space<hbm>> -> memref<40x128xf32, #tpu.memory_space<hbm>>
    tpu.wait_dma2 semaphore(%arg34 : memref<!tpu.dma_semaphore, #tpu.memory_space<semaphore_mem>>) src(%arg13 : memref<40x128xf32, #tpu.memory_space<vmem>>) dst(%dma_wait3A_87 : memref<40x128xf32, #tpu.memory_space<hbm>>)
    %dma_wait3A_88 = arith.constant 0 : i32
    %dma_wait3A_89 = arith.constant 0 : i32
    %dma_wait3A_90 = tpu.memref_slice %arg9[%dma_wait3A_88, %dma_wait3A_89] : memref<160000x128xf32, #tpu.memory_space<hbm>> -> memref<40x128xf32, #tpu.memory_space<hbm>>
    %dma_wait3A_91 = arith.constant 0 : i32
    %dma_wait3A_92 = arith.constant 0 : i32
    %dma_wait3A_93 = tpu.memref_slice %arg9[%dma_wait3A_91, %dma_wait3A_92] : memref<160000x128xf32, #tpu.memory_space<hbm>> -> memref<40x128xf32, #tpu.memory_space<hbm>>
    tpu.wait_dma2 semaphore(%arg35 : memref<!tpu.dma_semaphore, #tpu.memory_space<semaphore_mem>>) src(%arg14 : memref<40x128xf32, #tpu.memory_space<vmem>>) dst(%dma_wait3A_93 : memref<40x128xf32, #tpu.memory_space<hbm>>)
    %dma_wait3A_94 = arith.constant 0 : i32
    %dma_wait3A_95 = arith.constant 0 : i32
    %dma_wait3A_96 = tpu.memref_slice %arg9[%dma_wait3A_94, %dma_wait3A_95] : memref<160000x128xf32, #tpu.memory_space<hbm>> -> memref<40x128xf32, #tpu.memory_space<hbm>>
    %dma_wait3A_97 = arith.constant 0 : i32
    %dma_wait3A_98 = arith.constant 0 : i32
    %dma_wait3A_99 = tpu.memref_slice %arg9[%dma_wait3A_97, %dma_wait3A_98] : memref<160000x128xf32, #tpu.memory_space<hbm>> -> memref<40x128xf32, #tpu.memory_space<hbm>>
    tpu.wait_dma2 semaphore(%arg36 : memref<!tpu.dma_semaphore, #tpu.memory_space<semaphore_mem>>) src(%arg15 : memref<40x128xf32, #tpu.memory_space<vmem>>) dst(%dma_wait3A_99 : memref<40x128xf32, #tpu.memory_space<hbm>>)
    %dma_wait3A_100 = arith.constant 0 : i32
    %dma_wait3A_101 = arith.constant 0 : i32
    %dma_wait3A_102 = tpu.memref_slice %arg9[%dma_wait3A_100, %dma_wait3A_101] : memref<160000x128xf32, #tpu.memory_space<hbm>> -> memref<40x128xf32, #tpu.memory_space<hbm>>
    %dma_wait3A_103 = arith.constant 0 : i32
    %dma_wait3A_104 = arith.constant 0 : i32
    %dma_wait3A_105 = tpu.memref_slice %arg9[%dma_wait3A_103, %dma_wait3A_104] : memref<160000x128xf32, #tpu.memory_space<hbm>> -> memref<40x128xf32, #tpu.memory_space<hbm>>
    tpu.wait_dma2 semaphore(%arg37 : memref<!tpu.dma_semaphore, #tpu.memory_space<semaphore_mem>>) src(%arg16 : memref<40x128xf32, #tpu.memory_space<vmem>>) dst(%dma_wait3A_105 : memref<40x128xf32, #tpu.memory_space<hbm>>)
    %dma_wait3A_106 = arith.constant 0 : i32
    %dma_wait3A_107 = arith.constant 0 : i32
    %dma_wait3A_108 = tpu.memref_slice %arg9[%dma_wait3A_106, %dma_wait3A_107] : memref<160000x128xf32, #tpu.memory_space<hbm>> -> memref<40x128xf32, #tpu.memory_space<hbm>>
    %dma_wait3A_109 = arith.constant 0 : i32
    %dma_wait3A_110 = arith.constant 0 : i32
    %dma_wait3A_111 = tpu.memref_slice %arg9[%dma_wait3A_109, %dma_wait3A_110] : memref<160000x128xf32, #tpu.memory_space<hbm>> -> memref<40x128xf32, #tpu.memory_space<hbm>>
    tpu.wait_dma2 semaphore(%arg38 : memref<!tpu.dma_semaphore, #tpu.memory_space<semaphore_mem>>) src(%arg17 : memref<40x128xf32, #tpu.memory_space<vmem>>) dst(%dma_wait3A_111 : memref<40x128xf32, #tpu.memory_space<hbm>>)
    return
  }
}

</mosaic_0001>

<sc_bundles>
// kernel: _sc_gather.3.cloned.1.call-start
scs
__scs_entry_jumppad:
0x0: {  	(pc) =	sbr.rel $0x88, $3  }
0x1: {  	(tag) =	ssettag $0x0;
	lr =	simm.s32 $0x1  }
0x2: {  	[smem:$0x3F9A] =	sst lr;
	_ =	strace $0xD0000000  }
0x3: {  	_ = 	snop  }
0x4: {  	_ = 	snop  }
0x5: {  	_ = 	snop  }
0x6: {  	_ = 	snop  }
0x7: {  	_ = 	snop  }
__scs_overlays_trampoline_lowered:
0x8: {  	[smem:$0x3FA9] =	sst s0  }
0x9: {  	[smem:$0x3FAA] =	sst s1  }
0xa: {  	[smem:$0x3FAB] =	sst s2  }
0xb: {  	[smem:$0x3FAC] =	sst s3  }
0xc: {  	[smem:$0x3FAD] =	sst s4  }
0xd: {  	[smem:$0x3FAE] =	sst s5  }
0xe: {  	[smem:$0x3FAF] =	sst s6  }
0xf: {  	[smem:$0x3FB0] =	sst s7  }
0x10: {  	[smem:$0x3FB1] =	sst s8  }
0x11: {  	[smem:$0x3FB2] =	sst s9;
	s0 =	simm.s32 @!p0 $0x0  }
0x12: {  	s1 =	sld [smem:$0x3F98];
	s0 =	simm.s32 @p0 $0x1  }
0x13: {  	[smem:$0x3FB3] =	sst s0;
	s0 =	simm.s32 @!p1 $0x0  }
0x14: {  	s2 =	sld [smem:$0x3F97];
	s0 =	simm.s32 @p1 $0x1  }
0x15: {  	[smem:$0x3FB4] =	sst s0;
	s0 =	simm.s32 @!p2 $0x0  }
0x16: {  	s3 =	sld [smem:$0x3FDB];
	s0 =	simm.s32 @p2 $0x1  }
0x17: {  	s4 =	simm.s32 $0x1BF5;
	[smem:$0x3FB6] =	sst s0  }
0x18: {  	s0 =	sld [smem:$0x3F99];
	_ =	swait.ge [sflag:s4], $0x0  }
0x19: {  	s7 =	sld [smem:$0x3F9A]  }
0x1a: {  	s8 =	sadd.s32 $0xFFFFE003, lr  }
0x1b: {  	s9 =	sadd.s32 $0xFFFFFEF7, lr;
	s5 =	simm.s32 $0xFFFFFFFF;
	p2 =	slt.u32 s8, $0xFFFFF086  }
0x1c: {  	p1 =	slt.u32 s9, $0xF7A;
	s5 =	simm.s32 @!p2 $0x0  }
0x1d: {  	s5 =	simm.s32 @p1 $0x1;
	p0 =	seq.s32 s7, s2  }
0x1e: {  	s7 =	smul.u32 @!p0 $0xF7A, s2;
	p2 =	seq.s32 @!p0 s5, $0x0  }
0x1f: {  	s9 =	smul.u32 $0xF7A, s1;
	s8 =	simm.s32 @!p0 $0x1BF5;
	p2 =	por !p2, p0  }
0x20: {  	[sflag:s8] =	ssyncset.s32 @!p0 $0xFFFFF086;
	s6 =	sadd.s32 @!p0 s3, s7;
	s7 =	simm.s32 @!p0 $0x108  }
0x21: {  	s3 =	sadd.s32 s3, s9;
	s6 =	sadd.s32 @!p0 $0x88, s6;
	s7 =	simm.s32 @p2 $0x1082  }
0x22: {  	[simem:s7], [sflag:s8] =	dma.local @!p0 [hbm:s6], $0xF7A  }
0x23: {  	s9 =	sor.u32 $0xD0000000, s2;
	s6 =	simm.s32 $0x108;
	_ =	swait.ge @!p0 [sflag:s8], $0x0  }
0x24: {  	s3 =	sadd.s32 $0x88, s3;
	s6 =	simm.s32 @!p1 $0x1082;
	[sflag:s4] =	ssyncset.s32 $0xFFFFF086  }
0x25: {  	[simem:s6], [sflag:s4] =	dma.local [hbm:s3], $0xF7A  }
0x26: {  	[smem:$0x3F9A] =	sst s1;
	(tag) =	ssettag s2;
	_ =	strace s9  }
0x27: {  	s1 =	sld [smem:$0x3FAA]  }
0x28: {  	s2 =	sld [smem:$0x3FAB]  }
0x29: {  	s4 =	sld [smem:$0x3FAD]  }
0x2a: {  	p0 =	seq.s32 s5, $0x0;
	s5 =	sld [smem:$0x3FAE]  }
0x2b: {  	s6 =	sld [smem:$0x3FAF]  }
0x2c: {  	s7 =	sld [smem:$0x3FB0]  }
0x2d: {  	s3 =	simm.s32 $0x108;
	s8 =	sld [smem:$0x3FB1]  }
0x2e: {  	s3 =	simm.s32 @!p0 $0x1082;
	s9 =	sld [smem:$0x3FB2]  }
0x2f: {  	lr =	sadd.s32 s0, s3;
	s0 =	sld [smem:$0x3FA9]  }
0x30: {  	s3 =	sld [smem:$0x3FAC]  }
0x31: {  	[smem:$0x3FB5] =	sst s10  }
0x32: {  	s10 =	sld [smem:$0x3FB3];
	_ =	sdelay $0x3  }
0x33: {  	p0 =	seq.s32 s10, $0x1;
	s10 =	sld [smem:$0x3FB5];
	_ =	sdelay $0x3  }
0x34: {  	[smem:$0x3FB5] =	sst s10  }
0x35: {  	s10 =	sld [smem:$0x3FB4];
	_ =	sdelay $0x3  }
0x36: {  	p1 =	seq.s32 s10, $0x1;
	s10 =	sld [smem:$0x3FB5];
	_ =	sdelay $0x3  }
0x37: {  	[smem:$0x3FB5] =	sst s10  }
0x38: {  	s10 =	sld [smem:$0x3FB6]  }
0x39: {  	_ = 	snop;
	(pc) =	sbr.ind lr, $3  }
0x3a: {  	_ = 	snop  }
0x3b: {  	_ = 	snop  }
0x3c: {  	p2 =	seq.s32 s10, $0x1;
	s10 =	sld [smem:$0x3FB5]  }
0x3d: {  	_ =	shalt  }
0x3e: {  	_ =	shalt  }
0x3f: {  	_ =	shalt  }
0x40: {  	_ =	shalt  }
0x41: {  	_ =	shalt  }
0x42: {  	_ =	shalt  }
0x43: {  	_ =	shalt  }
0x44: {  	_ =	shalt  }
0x45: {  	_ =	shalt  }
0x46: {  	_ =	shalt  }
0x47: {  	_ =	shalt  }
0x48: {  	_ =	shalt  }
0x49: {  	_ =	shalt  }
0x4a: {  	_ =	shalt  }
0x4b: {  	_ =	shalt  }
0x4c: {  	_ =	shalt  }
0x4d: {  	_ =	shalt  }
0x4e: {  	_ =	shalt  }
0x4f: {  	_ =	shalt  }
0x50: {  	_ =	shalt  }
0x51: {  	_ =	shalt  }
0x52: {  	_ =	shalt  }
0x53: {  	_ =	shalt  }
0x54: {  	_ =	shalt  }
0x55: {  	_ =	shalt  }
0x56: {  	_ =	shalt  }
0x57: {  	_ =	shalt  }
0x58: {  	_ =	shalt  }
0x59: {  	_ =	shalt  }
0x5a: {  	_ =	shalt  }
0x5b: {  	_ =	shalt  }
0x5c: {  	_ =	shalt  }
0x5d: {  	_ =	shalt  }
0x5e: {  	_ =	shalt  }
0x5f: {  	_ =	shalt  }
0x60: {  	_ =	shalt  }
0x61: {  	_ =	shalt  }
0x62: {  	_ =	shalt  }
0x63: {  	_ =	shalt  }
0x64: {  	_ =	shalt  }
0x65: {  	_ =	shalt  }
0x66: {  	_ =	shalt  }
0x67: {  	_ =	shalt  }
0x68: {  	_ =	shalt  }
0x69: {  	_ =	shalt  }
0x6a: {  	_ =	shalt  }
0x6b: {  	_ =	shalt  }
0x6c: {  	_ =	shalt  }
0x6d: {  	_ =	shalt  }
0x6e: {  	_ =	shalt  }
0x6f: {  	_ =	shalt  }
0x70: {  	_ =	shalt  }
0x71: {  	_ =	shalt  }
0x72: {  	_ =	shalt  }
0x73: {  	_ =	shalt  }
0x74: {  	_ =	shalt  }
0x75: {  	_ =	shalt  }
0x76: {  	_ =	shalt  }
0x77: {  	_ =	shalt  }
0x78: {  	_ =	shalt  }
0x79: {  	_ =	shalt  }
0x7a: {  	_ =	shalt  }
0x7b: {  	_ =	shalt  }
0x7c: {  	_ =	shalt  }
0x7d: {  	_ =	shalt  }
0x7e: {  	_ =	shalt  }
0x7f: {  	_ =	shalt  }
0x80: {  	_ =	shalt  }
0x81: {  	_ =	shalt  }
0x82: {  	_ =	shalt  }
0x83: {  	_ =	shalt  }
0x84: {  	_ =	shalt  }
0x85: {  	_ =	shalt  }
0x86: {  	_ =	shalt  }
0x87: {  	_ =	shalt  }
.Lfunc_end0:
.L_simem_size_0:
called_computation_lowered:
.L_overlay_start_0:
0x88: {  	s2 =	sld [smem:$0x3FD9]  }
0x89: {  	s3 =	sld [smem:$0x3FFE];
	_ =	sdelay $0x1  }
0x8a: {  	s1 =	srdreg.scid  }
0x8b: {  	s0 =	sand.u32 $0x1, s1  }
0x8c: {  	s15 =	sshll.u32 s0, $0xA;
	s2 =	sadd.s32 s3, s2  }
0x8d: {  	s2 =	sadd.s32 s2, s15  }
0x8e: {  	[smem:$0x3FC1] =	sst s2  }
0x8f: {  	_ = 	snop  }
0x90: {  	s2 =	sld [smem:$0x3FC9]  }
0x91: {  	s16 =	sld [smem:$0x3FC8]  }
0x92: {  	s4 =	sld [smem:$0x3FC7]  }
0x93: {  	s5 =	sld [smem:$0x3FC6]  }
0x94: {  	s6 =	sld [smem:$0x3FD0]  }
0x95: {  	s7 =	sld [smem:$0x3FC5]  }
0x96: {  	s8 =	sld [smem:$0x3FC4]  }
0x97: {  	s10 =	simm.s32 $0xA;
	s11 =	simm.s32 $0x10;
	s9 =	sld [smem:$0x3FC3]  }
0x98: {  	[smem:s11], [sflag:s10] =	dma.local [hbm:s6], $0x1  }
0x99: {  	_ =	swait.eq [sflag:s10], $0x1  }
0x9a: {  	[sflag:s10] =	ssyncset.done $0x0  }
0x9b: {  	s17 =	sld [smem:$0x10];
	[sflag:s10] =	ssyncadd.s32 $0xFFFFFFFF  }
0x9c: {  	s18 =	sld [smem:$0x11];
	(tm) =	ssettm $0x1  }
0x9d: {  	s19 =	sld [smem:$0x3FFB];
	_ =	sdelay $0x3  }
0x9e: {  	_ =	strace s19  }
0x9f: {  	s11 =	sld [smem:$0x3FFC];
	_ =	sdelay $0x3  }
0xa0: {  	_ =	strace s11  }
0xa1: {  	s11 =	sld [smem:$0x3FFD];
	_ =	sdelay $0x3  }
0xa2: {  	_ =	strace s11  }
0xa3: {  	_ =	strace $0x8FFFFFFF  }
0xa4: {  	s20 =	sld [smem:$0x3FDB];
	_ =	sdelay $0x1  }
0xa5: {  	s12 =	simm.s32 $_scs_section_size  }
0xa6: {  	s13 =	simm.s32 $_size__tile_overlayer_lowered;
	s14 =	simm.s32 $_tile_overlayer_lowered  }
0xa7: {  	s23 =	simm.s32 $0x1BFF;
	s22 =	sshll.u32 s14, $0x1;
	s11 =	sadd.s32 s12, s20  }
0xa8: {  	s21 =	sshll.u32 s13, $0x1;
	s15 =	simm.s32 $0x0;
	s13 =	sadd.s32 s22, s11  }
0xa9: {  	[timem:s15], [sflag:s23] =	dma.local [hbm:s13], s21  }
0xaa: {  	_ =	swait.ge [sflag:s23], s21  }
0xab: {  	s12 =	ssub.s32 $0x0, s21;
	[sflag:s23] =	ssyncset.done $0x0  }
0xac: {  	[sflag:s23] =	ssyncadd.s32 s12;
	_ =	sdelay $0x1  }
0xad: {  	s24 =	simm.s32 $0x1B8B  }
0xae: {  	_ =	swait.ge [sflag:s24], $0x1  }
0xaf: {  	[sflag:s24] =	ssyncset.done $0x0  }
0xb0: {  	s25 =	simm.s32 $0x1B8E;
	[sflag:s24] =	ssyncadd.s32 $0xFFFFFFFF  }
0xb1: {  	s26 =	simm.s32 $execute0_lowered;
	[smem:$0x3FD2] =	sst s25  }
0xb2: {  	s12 =	sshll.u32 s26, $0x1;
	_ =	strace $0x80000046;
	[dreg:$0x1] =	wrdreg $0xFFFFFFFF  }
0xb3: {  	s28 =	simm.s32 $_size_execute0_lowered;
	s11 =	sadd.s32 s11, s12;
	[dreg:$0x0] =	wrdreg $0x0  }
0xb4: {  	s12 =	sshll.u32 s28, $0x1;
	[dreg:$0x2] =	wrdreg s11  }
0xb5: {  	[dreg:$0x3] =	wrdreg s12  }
0xb6: {  	[dreg:$0x4] =	wrdreg $0xC0  }
0xb7: {  	_ =	task [dreg:s15], $0x5FFFF  }
0xb8: {  	[dreg:$0x1] =	wrdreg $0xFFFFFFFF  }
0xb9: {  	[dreg:$0x0] =	wrdreg $0x60  }
0xba: {  	[dreg:$0x2] =	wrdreg s2  }
0xbb: {  	[dreg:$0x3] =	wrdreg s16  }
0xbc: {  	[dreg:$0x4] =	wrdreg s4  }
0xbd: {  	[dreg:$0x5] =	wrdreg s5  }
0xbe: {  	[dreg:$0x6] =	wrdreg s7  }
0xbf: {  	[dreg:$0x7] =	wrdreg s8  }
0xc0: {  	[dreg:$0x8] =	wrdreg s9  }
0xc1: {  	[dreg:$0x9] =	wrdreg s17  }
0xc2: {  	[dreg:$0xa] =	wrdreg s18  }
0xc3: {  	[dreg:$0xb] =	wrdreg $0x9  }
0xc4: {  	_ =	task.clear_ibuf [dreg:s15], $0xCFFFF;
	_ =	strace $0x90000046  }
0xc5: {  	s29 =	simm.s32 $0x9;
	_ =	strace $0x80000048  }
0xc6: {  	_ =	swait.ge [sflag:s29], $0x1  }
0xc7: {  	[sflag:s29] =	ssyncadd.s32 $0xFFFFFFFF  }
0xc8: {  	_ =	strace $0x90000048  }
0xc9: {  	_ =	sfence  }
0xca: {  	s30 =	sld [smem:$0x0];
	_ =	sdelay $0x2  }
0xcb: {  	s31 =	sshll.u32 s1, $0xD;
	s1 =	sshrl.u32 s1, $0x2  }
0xcc: {  	s3 =	sand.u32 $0x4000, s31;
	s1 =	sadd.s32 s1, s30  }
0xcd: {  	s0 =	sor.u32 s3, s0;
	s1 =	sshll.u32 s1, $0x11  }
0xce: {  	s0 =	sor.u32 s1, s0  }
0xcf: {  	s0 =	sadd.s32 $0x8F2B, s0  }
0xd0: {  	[sflag:s0] =	ssyncadd.remote.s32 $0x1  }
0xd1: {  	_ =	sfence.sel $0xFFFF  }
0xd2: {  	[dreg:$0x0] =	wrdreg $0xFFFFFFFF;
	(pc) =	sbr.abs _section_cstart, $3  }
0xd3: {  	[dreg:$0x1] =	wrdreg $0xFFFFFFFF  }
0xd4: {  	_ =	task.clear_ibuf [dreg:s15], $0x2FFFF;
	_ =	strace $0x9FFFFFFF  }
0xd5: {  	(tm) =	ssettm $0x7FFFFFFF  }
tec
execute0_lowered:
.L_overlay_start_1:
0x0: {  	(tag) =	ssettag $0x1  }
0x1: {  	s0 =	rddreg [dreg:$0x0]  }
0x2: {  	s1 =	rddreg [dreg:$0x1]  }
0x3: {  	s2 =	rddreg [dreg:$0x5]  }
0x4: {  	s3 =	rddreg [dreg:$0x6]  }
0x5: {  	s4 =	rddreg [dreg:$0x7]  }
0x6: {  	s5 =	rddreg [dreg:$0x8];
	s6 =	srdreg.scid  }
0x7: {  	s13 =	stileid.u32;
	s29 =	simm.s32 $0xF;
	s30 =	simm.s32 $0x10480  }
0x8: {  	s31 =	simm.s32 $0x10;
	s28 =	simm.s32 $0x6400;
	s7 =	sand.u32 $0x1, s6  }
0x9: {  	s6 =	simm.s32 $0x0;
	s17 =	sshll.u32 s13, $0x4;
	s21 =	sshll.u32 s13, $0x7  }
0xa: {  	s22 =	smul.u32 $0x13880, s13;
	s8 =	sshll.u32 s7, $0x4;
	[smem:$0x7FF] =	sst s6  }
0xb: {  	s9 =	ssub.s32 $0x2, s7;
	s16 =	sshll.u32 s7, $0x8;
	s19 =	sshll.u32 s7, $0xB  }
0xc: {  	s20 =	smul.u32 $0x138800, s7;
	s7 =	simm.s32 $0x5;
	s8 =	sor.u32 s13, s8  }
0xd: {  	_ =	strace $0x80000047;
	s10 =	sshrl.u32 s9, $0x1;
	s18 =	sadd.s32 s16, s2  }
0xe: {  	s11 =	sshll.u32 s8, $0x4;
	s9 =	ssub.s32 s9, s10;
	s25 =	smul.u32 $0x1388, s8  }
0xf: {  	s26 =	smul.u32 $0x13880, s8;
	s24 =	sadd.s32 s2, s11;
	s12 =	sadd.s32 s3, s11  }
0x10: {  	s11 =	sor.u32 $0x200, s11;
	s9 =	smax.u32 s9, $0x1;
	[dreg:$0xa] =	wrdreg s24  }
0x11: {  	[dreg:$0xb] =	wrdreg s12;
	s14 =	sadd.s32 s2, s11;
	s11 =	sadd.s32 s3, s11  }
0x12: {  	s10 =	sshrl.u32 s25, $0x3;
	s15 =	sadd.s32 s4, s26;
	s3 =	sadd.s32 s16, s3  }
0x13: {  	[dreg:$0xf] =	wrdreg s9;
	s2 =	sadd.s32 s19, s5;
	s16 =	sadd.s32 s17, s18  }
0x14: {  	s24 =	sadd.s32 s20, s4;
	s25 =	sor.u32 $0x20, s8;
	s20 =	simm.s32 $0x8C00  }
0x15: {  	s4 =	simm.s32 $0x1400;
	s18 =	simm.s32 $0x0;
	[dreg:$0xc] =	wrdreg s14  }
0x16: {  	[dreg:$0xd] =	wrdreg s11;
	s1 =	sadd.s32 s1, s10;
	s12 =	sadd.s32 $0x12E80, s15  }
0x17: {  	s14 =	sadd.s32 $0x13380, s15;
	s15 =	sadd.s32 s17, s3;
	s23 =	sadd.s32 s21, s2  }
0x18: {  	[dreg:$0x11] =	wrdreg s25;
	s26 =	sadd.s32 s22, s24;
	s21 =	simm.s32 $0x11  }
0x19: {  	s22 =	simm.s32 $0xB380;
	s3 =	simm.s32 $0x10880;
	s2 =	simm.s32 $0x28  }
0x1a: {  	s24 =	simm.s32 $0x1;
	[dreg:$0xe] =	wrdreg s1;
	s1 =	sadd.s32 $0x1000, s23  }
0x1b: {  	s25 =	simm.s32 $0x3;
	[dreg:$0x10] =	wrdreg s1;
	s1 =	sadd.s32 $0xC80, s26  }
0x1c: {  	v0 =	vimm.f32 $0.0e+00;
	s23 =	simm.s32 $0xDB00;
	s26 =	simm.s32 $0x3C00;
	[dreg:$0x12] =	wrdreg s1  }
.LBB2_1:
0x1d: {  	s1 =	rddreg [dreg:$0x2]  }
0x1e: {  	[tilespmem:s20], [sflag:$0x11] =	stream.linear.gather [hbm4b:s1+s6], $0x2780, $0x38;
	[tilespmem:$0x10C80] =	vst v63  }
0x1f: {  	_ =	swait.ge [sflag:s21], $0x2780  }
0x20: {  	[sflag:s21] =	ssyncset.done $0x0  }
0x21: {  	[sflag:s21] =	ssyncadd.s32 $0xFFFFD880  }
0x22: {  	s19 =	rddreg [dreg:$0x3]  }
0x23: {  	[tilespmem:s22], [sflag:$0x11] =	stream.linear.gather [hbm4b:s19+s6], $0x2780, $0x38;
	[tilespmem:$0x10C80] =	vst v63  }
0x24: {  	_ =	swait.ge [sflag:s21], $0x2780  }
0x25: {  	[sflag:s21] =	ssyncset.done $0x0  }
0x26: {  	[sflag:s21] =	ssyncadd.s32 $0xFFFFD880  }
0x27: {  	s5 =	rddreg [dreg:$0x4]  }
0x28: {  	[tilespmem:s23], [sflag:$0x11] =	stream.linear.gather [hbm4b:s5+s6], $0x2780, $0x38;
	[tilespmem:$0x10C80] =	vst v63  }
0x29: {  	_ =	swait.ge [sflag:s21], $0x2780  }
0x2a: {  	[sflag:s21] =	ssyncset.done $0x0  }
0x2b: {  	[sflag:s21] =	ssyncadd.s32 $0xFFFFD880  }
0x2c: {  	[tilespmem:$0x10700] =	vst v0  }
0x2d: {  	[tilespmem:$0x10710] =	vst v0  }
0x2e: {  	[tilespmem:$0x10720] =	vst v0  }
0x2f: {  	[tilespmem:$0x10730] =	vst v0  }
0x30: {  	[tilespmem:$0x10740] =	vst v0  }
0x31: {  	[tilespmem:$0x10750] =	vst v0  }
0x32: {  	[tilespmem:$0x10760] =	vst v0  }
0x33: {  	[tilespmem:$0x10770] =	vst v0  }
0x34: {  	[tilespmem:$0x10780] =	vst v0  }
0x35: {  	[tilespmem:$0x10790] =	vst v0  }
0x36: {  	[tilespmem:$0x107A0] =	vst v0  }
0x37: {  	[tilespmem:$0x107B0] =	vst v0  }
0x38: {  	[tilespmem:$0x107C0] =	vst v0  }
0x39: {  	[tilespmem:$0x107D0] =	vst v0  }
0x3a: {  	[tilespmem:$0x107E0] =	vst v0  }
0x3b: {  	[tilespmem:$0x107F0] =	vst v0  }
0x3c: {  	[tilespmem:$0x10800] =	vst v0  }
0x3d: {  	[tilespmem:$0x10810] =	vst v0  }
0x3e: {  	[tilespmem:$0x10820] =	vst v0  }
0x3f: {  	[tilespmem:$0x10830] =	vst v0  }
0x40: {  	[tilespmem:$0x10840] =	vst v0  }
0x41: {  	[tilespmem:$0x10850] =	vst v0  }
0x42: {  	[tilespmem:$0x10860] =	vst v0  }
0x43: {  	[tilespmem:$0x10870] =	vst v0  }
0x44: {  	[tilespmem:$0x10B00] =	vst v0  }
0x45: {  	[tilespmem:$0x10B10] =	vst v0  }
0x46: {  	[tilespmem:$0x10B20] =	vst v0  }
0x47: {  	[tilespmem:$0x10B30] =	vst v0  }
0x48: {  	[tilespmem:$0x10B40] =	vst v0  }
0x49: {  	[tilespmem:$0x10B50] =	vst v0  }
0x4a: {  	[tilespmem:$0x10B60] =	vst v0  }
0x4b: {  	[tilespmem:$0x10B70] =	vst v0  }
0x4c: {  	[tilespmem:$0x10B80] =	vst v0  }
0x4d: {  	[tilespmem:$0x10B90] =	vst v0  }
0x4e: {  	[tilespmem:$0x10BA0] =	vst v0  }
0x4f: {  	[tilespmem:$0x10BB0] =	vst v0  }
0x50: {  	[tilespmem:$0x10BC0] =	vst v0  }
0x51: {  	[tilespmem:$0x10BD0] =	vst v0  }
0x52: {  	[tilespmem:$0x10BE0] =	vst v0  }
0x53: {  	[tilespmem:$0x10BF0] =	vst v0  }
0x54: {  	[tilespmem:$0x10C00] =	vst v0  }
0x55: {  	[tilespmem:$0x10C10] =	vst v0  }
0x56: {  	[tilespmem:$0x10C20] =	vst v0  }
0x57: {  	[tilespmem:$0x10C30] =	vst v0  }
0x58: {  	[tilespmem:$0x10C40] =	vst v0  }
0x59: {  	[tilespmem:$0x10C50] =	vst v0  }
0x5a: {  	s8 =	rddreg [dreg:$0xa];
	[tilespmem:$0x10C60] =	vst v0  }
0x5b: {  	s5 =	simm.s32 $0x10280;
	s9 =	rddreg [dreg:$0xb];
	[tilespmem:$0x10C70] =	vst v0  }
0x5c: {  	[tilespmem:s5], [sflag:$0xF] =	stream.linear.gather [hbm4b:s8+s6], $0x80, $0x38;
	[tilespmem:$0x10C80] =	vst v63  }
0x5d: {  	s10 =	simm.s32 $0x10380;
	s11 =	rddreg [dreg:$0xc]  }
0x5e: {  	[tilespmem:s10], [sflag:$0xF] =	stream.linear.gather [hbm4b:s9+s6], $0x80, $0x38;
	[tilespmem:$0x10C80] =	vst v63  }
.Ltmp0:
0x5f: {  	s13 =	simm.s32 $0x10300;
	s17 =	rddreg [dreg:$0xd];
	(pc) =	sbr.rel .LBB2_2-.Ltmp0, $4  }
0x60: {  	[tilespmem:s13], [sflag:$0x10] =	stream.linear.gather [hbm4b:s11+s6], $0x80, $0x38;
	[tilespmem:$0x10C80] =	vst v63  }
0x61: {  	s19 =	simm.s32 $0x10400;
	s5 =	rddreg [dreg:$0x10]  }
0x62: {  	[tilespmem:s19], [sflag:$0x10] =	stream.linear.gather [hbm4b:s17+s6], $0x80, $0x38;
	[tilespmem:$0x10C80] =	vst v63  }
0x63: {  	s1 =	simm.s32 $0x0;
	s19 =	rddreg [dreg:$0x11]  }
.LBB2_4:
0x64: {  	s1 =	sadd.s32 $0x400, s1  }
0x65: {  	p0 =	sne.s32 s1, $0x2800  }
.Ltmp1:
0x66: {  	_ = 	snop;
	(pc) =	sbr.rel @!p0 .LBB2_5-.Ltmp1, $2  }
0x67: {  	_ =	sdelay $0x2  }
0x68: {  	s5 =	sadd.s32 $0x2000, s5;
	s19 =	sadd.s32 $0x40, s19  }
.LBB2_2:
0x69: {  	_ =	swait.ge [sflag:s29], $0x80  }
0x6a: {  	[sflag:s29] =	ssyncset.done $0x0  }
0x6b: {  	[sflag:s29] =	ssyncadd.s32 $0xFFFFFF80  }
0x6c: {  	_ =	swait.ge [sflag:s29], $0x80  }
0x6d: {  	p0 =	seq.s32 s1, $0x0;
	[sflag:s29] =	ssyncset.done $0x0  }
0x6e: {  	s8 =	simm.s32 @!p0 $0xD;
	[sflag:s29] =	ssyncadd.s32 $0xFFFFFF80  }
0x6f: {  	_ =	swait.ge @!p0 [sflag:s8], $0x400  }
0x70: {  	[sflag:s8] =	ssyncset.done @!p0 $0x0  }
0x71: {  	[sflag:s8] =	ssyncadd.s32 @!p0 $0xFFFFFC00  }
0x72: {  	v1 =	vld [tilespmem:$0x10280]  }
0x73: {  	v2 =	vld [tilespmem:$0x10380];
	_ =	sdelay $0x6  }
0x74: {  	v3 =	vld.idx.msk [tilespmem:v1+s20+$0x0], $0xffff  }
0x75: {  	v4 =	vld.idx.msk [tilespmem:v2+s20+$0x0], $0xffff  }
0x76: {  	v5 =	vld.idx.msk [tilespmem:v1+s22+$0x0], $0xffff  }
0x77: {  	v6 =	vld.idx.msk [tilespmem:v2+s22+$0x0], $0xffff  }
0x78: {  	v7 =	vld.idx.msk [tilespmem:v1+s23+$0x0], $0xffff  }
0x79: {  	v2 =	vld.idx.msk [tilespmem:v2+s23+$0x0], $0xffff;
	_ =	sdelay $0x2  }
0x7a: {  	v1 =	vand.u32 $0x1F, v1;
	v3 =	vsub.f32 v3, v4;
	v61 =	vsub.f32 v5, v6  }
0x7b: {  	v63 =	vld [tilespmem:$0x10290];
	v1 =	vcvt.s32.f32 v1  }
0x7c: {  	v8 =	vld [tilespmem:$0x10390];
	v2 =	vsub.f32 v7, v2;
	v62 =	vmul.f32 v3, v3;
	v6 =	vmul.f32 v61, v61;
	_ =	sdelay $0x1  }
0x7d: {  	[tilespmem:$0x10680] =	vst v1;
	v10 =	vmul.f32 v2, v2;
	v5 =	vadd.f32 v6, v62  }
0x7e: {  	[tilespmem:$0x10480] =	vst v3  }
0x7f: {  	[tilespmem:$0x10500] =	vst v61;
	v3 =	vadd.f32 v10, v5  }
0x80: {  	[tilespmem:$0x10580] =	vst v2  }
0x81: {  	[tilespmem:$0x10600] =	vst v3  }
0x82: {  	v1 =	vld.idx.msk [tilespmem:v63+s20+$0x0], $0xffff  }
0x83: {  	v2 =	vld.idx.msk [tilespmem:v8+s20+$0x0], $0xffff  }
0x84: {  	v3 =	vld.idx.msk [tilespmem:v63+s22+$0x0], $0xffff  }
0x85: {  	v4 =	vld.idx.msk [tilespmem:v8+s22+$0x0], $0xffff  }
0x86: {  	v11 =	vld.idx.msk [tilespmem:v63+s23+$0x0], $0xffff  }
0x87: {  	v12 =	vld.idx.msk [tilespmem:v8+s23+$0x0], $0xffff;
	_ =	sdelay $0x2  }
0x88: {  	v1 =	vsub.f32 v1, v2;
	v2 =	vsub.f32 v3, v4  }
0x89: {  	v15 =	vld [tilespmem:$0x102A0]  }
0x8a: {  	v16 =	vld [tilespmem:$0x103A0];
	v3 =	vsub.f32 v11, v12;
	v13 =	vmul.f32 v1, v1;
	v14 =	vmul.f32 v2, v2;
	_ =	sdelay $0x1  }
0x8b: {  	v17 =	vmul.f32 v3, v3;
	[tilespmem:$0x10510] =	vst v2;
	v2 =	vand.u32 $0x1F, v63;
	v4 =	vadd.f32 v14, v13  }
0x8c: {  	[tilespmem:$0x10490] =	vst v1;
	v2 =	vcvt.s32.f32 v2  }
0x8d: {  	[tilespmem:$0x10590] =	vst v3;
	v1 =	vadd.f32 v17, v4  }
0x8e: {  	[tilespmem:$0x10690] =	vst v2  }
0x8f: {  	[tilespmem:$0x10610] =	vst v1  }
0x90: {  	v1 =	vld.idx.msk [tilespmem:v15+s20+$0x0], $0xffff  }
0x91: {  	v2 =	vld.idx.msk [tilespmem:v16+s20+$0x0], $0xffff  }
0x92: {  	v3 =	vld.idx.msk [tilespmem:v15+s22+$0x0], $0xffff  }
0x93: {  	v18 =	vld.idx.msk [tilespmem:v16+s22+$0x0], $0xffff  }
0x94: {  	v19 =	vld.idx.msk [tilespmem:v15+s23+$0x0], $0xffff  }
0x95: {  	v20 =	vld.idx.msk [tilespmem:v16+s23+$0x0], $0xffff;
	_ =	sdelay $0x2  }
0x96: {  	v1 =	vsub.f32 v1, v2;
	v2 =	vsub.f32 v3, v18  }
0x97: {  	v23 =	vld [tilespmem:$0x102B0]  }
0x98: {  	v24 =	vld [tilespmem:$0x103B0];
	v3 =	vsub.f32 v19, v20;
	v21 =	vmul.f32 v1, v1;
	v22 =	vmul.f32 v2, v2;
	_ =	sdelay $0x1  }
0x99: {  	v25 =	vmul.f32 v3, v3;
	[tilespmem:$0x10520] =	vst v2;
	v2 =	vand.u32 $0x1F, v15;
	v4 =	vadd.f32 v22, v21  }
0x9a: {  	[tilespmem:$0x104A0] =	vst v1;
	v2 =	vcvt.s32.f32 v2  }
0x9b: {  	[tilespmem:$0x105A0] =	vst v3;
	v1 =	vadd.f32 v25, v4  }
0x9c: {  	[tilespmem:$0x106A0] =	vst v2  }
0x9d: {  	[tilespmem:$0x10620] =	vst v1  }
0x9e: {  	v1 =	vld.idx.msk [tilespmem:v23+s20+$0x0], $0xffff  }
0x9f: {  	v2 =	vld.idx.msk [tilespmem:v24+s20+$0x0], $0xffff  }
0xa0: {  	v3 =	vld.idx.msk [tilespmem:v23+s22+$0x0], $0xffff  }
0xa1: {  	v26 =	vld.idx.msk [tilespmem:v24+s22+$0x0], $0xffff  }
0xa2: {  	v27 =	vld.idx.msk [tilespmem:v23+s23+$0x0], $0xffff  }
0xa3: {  	v28 =	vld.idx.msk [tilespmem:v24+s23+$0x0], $0xffff;
	_ =	sdelay $0x2  }
0xa4: {  	v1 =	vsub.f32 v1, v2;
	v2 =	vsub.f32 v3, v26  }
0xa5: {  	v31 =	vld [tilespmem:$0x102C0]  }
0xa6: {  	v32 =	vld [tilespmem:$0x103C0];
	v3 =	vsub.f32 v27, v28;
	v29 =	vmul.f32 v1, v1;
	v30 =	vmul.f32 v2, v2;
	_ =	sdelay $0x1  }
0xa7: {  	v33 =	vmul.f32 v3, v3;
	[tilespmem:$0x10530] =	vst v2;
	v2 =	vand.u32 $0x1F, v23;
	v4 =	vadd.f32 v30, v29  }
0xa8: {  	[tilespmem:$0x104B0] =	vst v1;
	v2 =	vcvt.s32.f32 v2  }
0xa9: {  	[tilespmem:$0x105B0] =	vst v3;
	v1 =	vadd.f32 v33, v4  }
0xaa: {  	[tilespmem:$0x106B0] =	vst v2  }
0xab: {  	[tilespmem:$0x10630] =	vst v1  }
0xac: {  	v1 =	vld.idx.msk [tilespmem:v31+s20+$0x0], $0xffff  }
0xad: {  	v2 =	vld.idx.msk [tilespmem:v32+s20+$0x0], $0xffff  }
0xae: {  	v3 =	vld.idx.msk [tilespmem:v31+s22+$0x0], $0xffff  }
0xaf: {  	v34 =	vld.idx.msk [tilespmem:v32+s22+$0x0], $0xffff  }
0xb0: {  	v35 =	vld.idx.msk [tilespmem:v31+s23+$0x0], $0xffff  }
0xb1: {  	v36 =	vld.idx.msk [tilespmem:v32+s23+$0x0], $0xffff;
	_ =	sdelay $0x2  }
0xb2: {  	v1 =	vsub.f32 v1, v2;
	v2 =	vsub.f32 v3, v34  }
0xb3: {  	v39 =	vld [tilespmem:$0x102D0]  }
0xb4: {  	v40 =	vld [tilespmem:$0x103D0];
	v3 =	vsub.f32 v35, v36;
	v37 =	vmul.f32 v1, v1;
	v38 =	vmul.f32 v2, v2;
	_ =	sdelay $0x1  }
0xb5: {  	v41 =	vmul.f32 v3, v3;
	[tilespmem:$0x10540] =	vst v2;
	v2 =	vand.u32 $0x1F, v31;
	v4 =	vadd.f32 v38, v37  }
0xb6: {  	[tilespmem:$0x104C0] =	vst v1;
	v2 =	vcvt.s32.f32 v2  }
0xb7: {  	[tilespmem:$0x105C0] =	vst v3;
	v1 =	vadd.f32 v41, v4  }
0xb8: {  	[tilespmem:$0x106C0] =	vst v2  }
0xb9: {  	[tilespmem:$0x10640] =	vst v1  }
0xba: {  	v1 =	vld.idx.msk [tilespmem:v39+s20+$0x0], $0xffff  }
0xbb: {  	v2 =	vld.idx.msk [tilespmem:v40+s20+$0x0], $0xffff  }
0xbc: {  	v3 =	vld.idx.msk [tilespmem:v39+s22+$0x0], $0xffff  }
0xbd: {  	v42 =	vld.idx.msk [tilespmem:v40+s22+$0x0], $0xffff  }
0xbe: {  	v43 =	vld.idx.msk [tilespmem:v39+s23+$0x0], $0xffff  }
0xbf: {  	v44 =	vld.idx.msk [tilespmem:v40+s23+$0x0], $0xffff;
	_ =	sdelay $0x2  }
0xc0: {  	v1 =	vsub.f32 v1, v2;
	v2 =	vsub.f32 v3, v42  }
0xc1: {  	v47 =	vld [tilespmem:$0x102E0]  }
0xc2: {  	v48 =	vld [tilespmem:$0x103E0];
	v3 =	vsub.f32 v43, v44;
	v45 =	vmul.f32 v1, v1;
	v46 =	vmul.f32 v2, v2;
	_ =	sdelay $0x1  }
0xc3: {  	v49 =	vmul.f32 v3, v3;
	[tilespmem:$0x10550] =	vst v2;
	v2 =	vand.u32 $0x1F, v39;
	v4 =	vadd.f32 v46, v45  }
0xc4: {  	[tilespmem:$0x104D0] =	vst v1;
	v2 =	vcvt.s32.f32 v2  }
0xc5: {  	[tilespmem:$0x105D0] =	vst v3;
	v1 =	vadd.f32 v49, v4  }
0xc6: {  	[tilespmem:$0x106D0] =	vst v2  }
0xc7: {  	[tilespmem:$0x10650] =	vst v1  }
0xc8: {  	v1 =	vld.idx.msk [tilespmem:v47+s20+$0x0], $0xffff  }
0xc9: {  	v2 =	vld.idx.msk [tilespmem:v48+s20+$0x0], $0xffff  }
0xca: {  	v3 =	vld.idx.msk [tilespmem:v47+s22+$0x0], $0xffff  }
0xcb: {  	v50 =	vld.idx.msk [tilespmem:v48+s22+$0x0], $0xffff  }
0xcc: {  	v51 =	vld.idx.msk [tilespmem:v47+s23+$0x0], $0xffff  }
0xcd: {  	v52 =	vld.idx.msk [tilespmem:v48+s23+$0x0], $0xffff;
	_ =	sdelay $0x2  }
0xce: {  	v1 =	vsub.f32 v1, v2;
	v2 =	vsub.f32 v3, v50  }
0xcf: {  	v55 =	vld [tilespmem:$0x102F0]  }
0xd0: {  	v56 =	vld [tilespmem:$0x103F0];
	v3 =	vsub.f32 v51, v52;
	v53 =	vmul.f32 v1, v1;
	v54 =	vmul.f32 v2, v2;
	_ =	sdelay $0x1  }
0xd1: {  	v57 =	vmul.f32 v3, v3;
	[tilespmem:$0x10560] =	vst v2;
	v2 =	vand.u32 $0x1F, v47;
	v4 =	vadd.f32 v54, v53  }
0xd2: {  	[tilespmem:$0x104E0] =	vst v1;
	v2 =	vcvt.s32.f32 v2  }
0xd3: {  	[tilespmem:$0x105E0] =	vst v3;
	v1 =	vadd.f32 v57, v4  }
0xd4: {  	[tilespmem:$0x106E0] =	vst v2  }
0xd5: {  	[tilespmem:$0x10660] =	vst v1  }
0xd6: {  	v1 =	vld.idx.msk [tilespmem:v55+s20+$0x0], $0xffff  }
0xd7: {  	v2 =	vld.idx.msk [tilespmem:v56+s20+$0x0], $0xffff  }
0xd8: {  	v3 =	vld.idx.msk [tilespmem:v55+s22+$0x0], $0xffff  }
0xd9: {  	v58 =	vld.idx.msk [tilespmem:v56+s22+$0x0], $0xffff  }
0xda: {  	v59 =	vld.idx.msk [tilespmem:v55+s23+$0x0], $0xffff  }
0xdb: {  	v60 =	vld.idx.msk [tilespmem:v56+s23+$0x0], $0xffff;
	_ =	sdelay $0x2  }
0xdc: {  	v1 =	vsub.f32 v1, v2;
	v2 =	vsub.f32 v3, v58;
	_ =	sdelay $0x1  }
0xdd: {  	v3 =	vsub.f32 v59, v60;
	v61 =	vmul.f32 v1, v1;
	v62 =	vmul.f32 v2, v2;
	_ =	sdelay $0x1  }
0xde: {  	v63 =	vmul.f32 v3, v3;
	[tilespmem:$0x10570] =	vst v2;
	v2 =	vand.u32 $0x1F, v55;
	v4 =	vadd.f32 v62, v61  }
0xdf: {  	[tilespmem:$0x104F0] =	vst v1;
	v2 =	vcvt.s32.f32 v2  }
0xe0: {  	s17 =	sadd.s32 $0xFFFFFFE0, s19;
	[tilespmem:$0x105F0] =	vst v3;
	v1 =	vadd.f32 v63, v4  }
0xe1: {  	p1 =	sgt.u32 s17, $0x230;
	[tilespmem:$0x106F0] =	vst v2  }
0xe2: {  	s9 =	sadd.s32 $0xFFFFF000, s5;
	s8 =	sadd.s32 @!p1 s1, s16;
	[tilespmem:$0x10670] =	vst v1  }
0xe3: {  	[hbm4b:s9+s6] =	stream.linear.scatter [tilespmem:s30], [sflag:$0xD], $0x400, $0x38;
	[tilespmem:$0x10C80] =	vst v63  }
0xe4: {  	s10 =	simm.s32 @!p1 $0x10280;
	s8 =	sadd.s32 @!p1 $0x400, s8;
	s9 =	simm.s32 @!p1 $0x0  }
0xe5: {  	[tilespmem:s10], [sflag:$0xF] =	stream.linear.gather @!p1 [hbm4b:s8+s9], $0x80, $0x38;
	[tilespmem:$0x10C80] =	vst v63  }
0xe6: {  	s8 =	sadd.s32 @!p1 s1, s15  }
0xe7: {  	s10 =	simm.s32 @!p1 $0x10380;
	s8 =	sadd.s32 @!p1 $0x400, s8  }
0xe8: {  	[tilespmem:s10], [sflag:$0xF] =	stream.linear.gather @!p1 [hbm4b:s8+s9], $0x80, $0x38;
	[tilespmem:$0x10C80] =	vst v63  }
0xe9: {  	p1 =	sgt.u32 s19, $0x270  }
.Ltmp2:
0xea: {  	_ = 	snop;
	(pc) =	sbr.rel @p1 .LBB2_4-.Ltmp2, $1  }
0xeb: {  	_ =	sdelay $0x3  }
0xec: {  	_ =	swait.ge [sflag:s31], $0x80  }
0xed: {  	[sflag:s31] =	ssyncset.done $0x0  }
0xee: {  	[sflag:s31] =	ssyncadd.s32 $0xFFFFFF80  }
0xef: {  	_ =	swait.ge [sflag:s31], $0x80  }
0xf0: {  	[sflag:s31] =	ssyncset.done $0x0  }
0xf1: {  	s8 =	simm.s32 @!p0 $0xE;
	[sflag:s31] =	ssyncadd.s32 $0xFFFFFF80  }
0xf2: {  	_ =	swait.ge @!p0 [sflag:s8], $0x400  }
0xf3: {  	[sflag:s8] =	ssyncset.done @!p0 $0x0  }
0xf4: {  	[sflag:s8] =	ssyncadd.s32 @!p0 $0xFFFFFC00  }
0xf5: {  	v1 =	vld [tilespmem:$0x10300]  }
0xf6: {  	v2 =	vld [tilespmem:$0x10400];
	_ =	sdelay $0x6  }
0xf7: {  	v3 =	vld.idx.msk [tilespmem:v1+s20+$0x0], $0xffff  }
0xf8: {  	v4 =	vld.idx.msk [tilespmem:v2+s20+$0x0], $0xffff  }
0xf9: {  	v5 =	vld.idx.msk [tilespmem:v1+s22+$0x0], $0xffff  }
0xfa: {  	v6 =	vld.idx.msk [tilespmem:v2+s22+$0x0], $0xffff  }
0xfb: {  	v7 =	vld.idx.msk [tilespmem:v1+s23+$0x0], $0xffff  }
0xfc: {  	v2 =	vld.idx.msk [tilespmem:v2+s23+$0x0], $0xffff;
	_ =	sdelay $0x2  }
0xfd: {  	v1 =	vand.u32 $0x1F, v1;
	v3 =	vsub.f32 v3, v4;
	v61 =	vsub.f32 v5, v6  }
0xfe: {  	v63 =	vld [tilespmem:$0x10310];
	v1 =	vcvt.s32.f32 v1  }
0xff: {  	v8 =	vld [tilespmem:$0x10410];
	v2 =	vsub.f32 v7, v2;
	v62 =	vmul.f32 v3, v3;
	v6 =	vmul.f32 v61, v61;
	_ =	sdelay $0x1  }
0x100: {  	[tilespmem:$0x10A80] =	vst v1;
	v10 =	vmul.f32 v2, v2;
	v5 =	vadd.f32 v6, v62  }
0x101: {  	[tilespmem:$0x10880] =	vst v3  }
0x102: {  	[tilespmem:$0x10900] =	vst v61;
	v3 =	vadd.f32 v10, v5  }
0x103: {  	[tilespmem:$0x10980] =	vst v2  }
0x104: {  	[tilespmem:$0x10A00] =	vst v3  }
0x105: {  	v1 =	vld.idx.msk [tilespmem:v63+s20+$0x0], $0xffff  }
0x106: {  	v2 =	vld.idx.msk [tilespmem:v8+s20+$0x0], $0xffff  }
0x107: {  	v3 =	vld.idx.msk [tilespmem:v63+s22+$0x0], $0xffff  }
0x108: {  	v4 =	vld.idx.msk [tilespmem:v8+s22+$0x0], $0xffff  }
0x109: {  	v11 =	vld.idx.msk [tilespmem:v63+s23+$0x0], $0xffff  }
0x10a: {  	v12 =	vld.idx.msk [tilespmem:v8+s23+$0x0], $0xffff;
	_ =	sdelay $0x2  }
0x10b: {  	v1 =	vsub.f32 v1, v2;
	v2 =	vsub.f32 v3, v4  }
0x10c: {  	v15 =	vld [tilespmem:$0x10320]  }
0x10d: {  	v16 =	vld [tilespmem:$0x10420];
	v3 =	vsub.f32 v11, v12;
	v13 =	vmul.f32 v1, v1;
	v14 =	vmul.f32 v2, v2;
	_ =	sdelay $0x1  }
0x10e: {  	v17 =	vmul.f32 v3, v3;
	[tilespmem:$0x10910] =	vst v2;
	v2 =	vand.u32 $0x1F, v63;
	v4 =	vadd.f32 v14, v13  }
0x10f: {  	[tilespmem:$0x10890] =	vst v1;
	v2 =	vcvt.s32.f32 v2  }
0x110: {  	[tilespmem:$0x10990] =	vst v3;
	v1 =	vadd.f32 v17, v4  }
0x111: {  	[tilespmem:$0x10A90] =	vst v2  }
0x112: {  	[tilespmem:$0x10A10] =	vst v1  }
0x113: {  	v1 =	vld.idx.msk [tilespmem:v15+s20+$0x0], $0xffff  }
0x114: {  	v2 =	vld.idx.msk [tilespmem:v16+s20+$0x0], $0xffff  }
0x115: {  	v3 =	vld.idx.msk [tilespmem:v15+s22+$0x0], $0xffff  }
0x116: {  	v18 =	vld.idx.msk [tilespmem:v16+s22+$0x0], $0xffff  }
0x117: {  	v19 =	vld.idx.msk [tilespmem:v15+s23+$0x0], $0xffff  }
0x118: {  	v20 =	vld.idx.msk [tilespmem:v16+s23+$0x0], $0xffff;
	_ =	sdelay $0x2  }
0x119: {  	v1 =	vsub.f32 v1, v2;
	v2 =	vsub.f32 v3, v18  }
0x11a: {  	v23 =	vld [tilespmem:$0x10330]  }
0x11b: {  	v24 =	vld [tilespmem:$0x10430];
	v3 =	vsub.f32 v19, v20;
	v21 =	vmul.f32 v1, v1;
	v22 =	vmul.f32 v2, v2;
	_ =	sdelay $0x1  }
0x11c: {  	v25 =	vmul.f32 v3, v3;
	[tilespmem:$0x10920] =	vst v2;
	v2 =	vand.u32 $0x1F, v15;
	v4 =	vadd.f32 v22, v21  }
0x11d: {  	[tilespmem:$0x108A0] =	vst v1;
	v2 =	vcvt.s32.f32 v2  }
0x11e: {  	[tilespmem:$0x109A0] =	vst v3;
	v1 =	vadd.f32 v25, v4  }
0x11f: {  	[tilespmem:$0x10AA0] =	vst v2  }
0x120: {  	[tilespmem:$0x10A20] =	vst v1  }
0x121: {  	v1 =	vld.idx.msk [tilespmem:v23+s20+$0x0], $0xffff  }
0x122: {  	v2 =	vld.idx.msk [tilespmem:v24+s20+$0x0], $0xffff  }
0x123: {  	v3 =	vld.idx.msk [tilespmem:v23+s22+$0x0], $0xffff  }
0x124: {  	v26 =	vld.idx.msk [tilespmem:v24+s22+$0x0], $0xffff  }
0x125: {  	v27 =	vld.idx.msk [tilespmem:v23+s23+$0x0], $0xffff  }
0x126: {  	v28 =	vld.idx.msk [tilespmem:v24+s23+$0x0], $0xffff;
	_ =	sdelay $0x2  }
0x127: {  	v1 =	vsub.f32 v1, v2;
	v2 =	vsub.f32 v3, v26  }
0x128: {  	v31 =	vld [tilespmem:$0x10340]  }
0x129: {  	v32 =	vld [tilespmem:$0x10440];
	v3 =	vsub.f32 v27, v28;
	v29 =	vmul.f32 v1, v1;
	v30 =	vmul.f32 v2, v2;
	_ =	sdelay $0x1  }
0x12a: {  	v33 =	vmul.f32 v3, v3;
	[tilespmem:$0x10930] =	vst v2;
	v2 =	vand.u32 $0x1F, v23;
	v4 =	vadd.f32 v30, v29  }
0x12b: {  	[tilespmem:$0x108B0] =	vst v1;
	v2 =	vcvt.s32.f32 v2  }
0x12c: {  	[tilespmem:$0x109B0] =	vst v3;
	v1 =	vadd.f32 v33, v4  }
0x12d: {  	[tilespmem:$0x10AB0] =	vst v2  }
0x12e: {  	[tilespmem:$0x10A30] =	vst v1  }
0x12f: {  	v1 =	vld.idx.msk [tilespmem:v31+s20+$0x0], $0xffff  }
0x130: {  	v2 =	vld.idx.msk [tilespmem:v32+s20+$0x0], $0xffff  }
0x131: {  	v3 =	vld.idx.msk [tilespmem:v31+s22+$0x0], $0xffff  }
0x132: {  	v34 =	vld.idx.msk [tilespmem:v32+s22+$0x0], $0xffff  }
0x133: {  	v35 =	vld.idx.msk [tilespmem:v31+s23+$0x0], $0xffff  }
0x134: {  	v36 =	vld.idx.msk [tilespmem:v32+s23+$0x0], $0xffff;
	_ =	sdelay $0x2  }
0x135: {  	v1 =	vsub.f32 v1, v2;
	v2 =	vsub.f32 v3, v34  }
0x136: {  	v39 =	vld [tilespmem:$0x10350]  }
0x137: {  	v40 =	vld [tilespmem:$0x10450];
	v3 =	vsub.f32 v35, v36;
	v37 =	vmul.f32 v1, v1;
	v38 =	vmul.f32 v2, v2;
	_ =	sdelay $0x1  }
0x138: {  	v41 =	vmul.f32 v3, v3;
	[tilespmem:$0x10940] =	vst v2;
	v2 =	vand.u32 $0x1F, v31;
	v4 =	vadd.f32 v38, v37  }
0x139: {  	[tilespmem:$0x108C0] =	vst v1;
	v2 =	vcvt.s32.f32 v2  }
0x13a: {  	[tilespmem:$0x109C0] =	vst v3;
	v1 =	vadd.f32 v41, v4  }
0x13b: {  	[tilespmem:$0x10AC0] =	vst v2  }
0x13c: {  	[tilespmem:$0x10A40] =	vst v1  }
0x13d: {  	v1 =	vld.idx.msk [tilespmem:v39+s20+$0x0], $0xffff  }
0x13e: {  	v2 =	vld.idx.msk [tilespmem:v40+s20+$0x0], $0xffff  }
0x13f: {  	v3 =	vld.idx.msk [tilespmem:v39+s22+$0x0], $0xffff  }
0x140: {  	v42 =	vld.idx.msk [tilespmem:v40+s22+$0x0], $0xffff  }
0x141: {  	v43 =	vld.idx.msk [tilespmem:v39+s23+$0x0], $0xffff  }
0x142: {  	v44 =	vld.idx.msk [tilespmem:v40+s23+$0x0], $0xffff;
	_ =	sdelay $0x2  }
0x143: {  	v1 =	vsub.f32 v1, v2;
	v2 =	vsub.f32 v3, v42  }
0x144: {  	v47 =	vld [tilespmem:$0x10360]  }
0x145: {  	v48 =	vld [tilespmem:$0x10460];
	v3 =	vsub.f32 v43, v44;
	v45 =	vmul.f32 v1, v1;
	v46 =	vmul.f32 v2, v2;
	_ =	sdelay $0x1  }
0x146: {  	v49 =	vmul.f32 v3, v3;
	[tilespmem:$0x10950] =	vst v2;
	v2 =	vand.u32 $0x1F, v39;
	v4 =	vadd.f32 v46, v45  }
0x147: {  	[tilespmem:$0x108D0] =	vst v1;
	v2 =	vcvt.s32.f32 v2  }
0x148: {  	[tilespmem:$0x109D0] =	vst v3;
	v1 =	vadd.f32 v49, v4  }
0x149: {  	[tilespmem:$0x10AD0] =	vst v2  }
0x14a: {  	[tilespmem:$0x10A50] =	vst v1  }
0x14b: {  	v1 =	vld.idx.msk [tilespmem:v47+s20+$0x0], $0xffff  }
0x14c: {  	v2 =	vld.idx.msk [tilespmem:v48+s20+$0x0], $0xffff  }
0x14d: {  	v3 =	vld.idx.msk [tilespmem:v47+s22+$0x0], $0xffff  }
0x14e: {  	v50 =	vld.idx.msk [tilespmem:v48+s22+$0x0], $0xffff  }
0x14f: {  	v51 =	vld.idx.msk [tilespmem:v47+s23+$0x0], $0xffff  }
0x150: {  	v52 =	vld.idx.msk [tilespmem:v48+s23+$0x0], $0xffff;
	_ =	sdelay $0x2  }
0x151: {  	v1 =	vsub.f32 v1, v2;
	v2 =	vsub.f32 v3, v50  }
0x152: {  	v55 =	vld [tilespmem:$0x10370]  }
0x153: {  	v56 =	vld [tilespmem:$0x10470];
	v3 =	vsub.f32 v51, v52;
	v53 =	vmul.f32 v1, v1;
	v54 =	vmul.f32 v2, v2;
	_ =	sdelay $0x1  }
0x154: {  	v57 =	vmul.f32 v3, v3;
	[tilespmem:$0x10960] =	vst v2;
	v2 =	vand.u32 $0x1F, v47;
	v4 =	vadd.f32 v54, v53  }
0x155: {  	[tilespmem:$0x108E0] =	vst v1;
	v2 =	vcvt.s32.f32 v2  }
0x156: {  	[tilespmem:$0x109E0] =	vst v3;
	v1 =	vadd.f32 v57, v4  }
0x157: {  	[tilespmem:$0x10AE0] =	vst v2  }
0x158: {  	[tilespmem:$0x10A60] =	vst v1  }
0x159: {  	v1 =	vld.idx.msk [tilespmem:v55+s20+$0x0], $0xffff  }
0x15a: {  	v2 =	vld.idx.msk [tilespmem:v56+s20+$0x0], $0xffff  }
0x15b: {  	v3 =	vld.idx.msk [tilespmem:v55+s22+$0x0], $0xffff  }
0x15c: {  	v58 =	vld.idx.msk [tilespmem:v56+s22+$0x0], $0xffff  }
0x15d: {  	v59 =	vld.idx.msk [tilespmem:v55+s23+$0x0], $0xffff  }
0x15e: {  	v60 =	vld.idx.msk [tilespmem:v56+s23+$0x0], $0xffff;
	_ =	sdelay $0x2  }
0x15f: {  	v1 =	vsub.f32 v1, v2;
	v2 =	vsub.f32 v3, v58;
	_ =	sdelay $0x1  }
0x160: {  	v3 =	vsub.f32 v59, v60;
	v61 =	vmul.f32 v1, v1;
	v62 =	vmul.f32 v2, v2;
	_ =	sdelay $0x1  }
0x161: {  	v63 =	vmul.f32 v3, v3;
	[tilespmem:$0x10970] =	vst v2;
	v2 =	vand.u32 $0x1F, v55;
	v4 =	vadd.f32 v62, v61  }
0x162: {  	[tilespmem:$0x108F0] =	vst v1;
	v2 =	vcvt.s32.f32 v2  }
0x163: {  	[tilespmem:$0x109F0] =	vst v3;
	v1 =	vadd.f32 v63, v4  }
0x164: {  	p0 =	sgt.u32 s19, $0x230;
	[tilespmem:$0x10AF0] =	vst v2  }
0x165: {  	s8 =	sadd.s32 @!p0 s1, s16;
	s9 =	simm.s32 @!p0 $0x0;
	[tilespmem:$0x10A70] =	vst v1  }
0x166: {  	[hbm4b:s5+s6] =	stream.linear.scatter [tilespmem:s3], [sflag:$0xE], $0x400, $0x38;
	[tilespmem:$0x10C80] =	vst v63  }
.Ltmp3:
0x167: {  	s10 =	simm.s32 @!p0 $0x10300;
	s8 =	sadd.s32 @!p0 $0x600, s8;
	(pc) =	sbr.rel .LBB2_4-.Ltmp3, $4  }
0x168: {  	[tilespmem:s10], [sflag:$0x10] =	stream.linear.gather @!p0 [hbm4b:s8+s9], $0x80, $0x38;
	[tilespmem:$0x10C80] =	vst v63  }
0x169: {  	s8 =	sadd.s32 @!p0 s1, s15  }
0x16a: {  	s10 =	simm.s32 @!p0 $0x10400;
	s8 =	sadd.s32 @!p0 $0x600, s8  }
0x16b: {  	[tilespmem:s10], [sflag:$0x10] =	stream.linear.gather @!p0 [hbm4b:s8+s9], $0x80, $0x38;
	[tilespmem:$0x10C80] =	vst v63  }
.LBB2_5:
0x16c: {  	s1 =	simm.s32 $0xD  }
0x16d: {  	_ =	swait.ge [sflag:s1], $0x400  }
0x16e: {  	[sflag:s1] =	ssyncset.done $0x0  }
0x16f: {  	s8 =	simm.s32 $0xE;
	[sflag:s1] =	ssyncadd.s32 $0xFFFFFC00  }
0x170: {  	_ =	swait.ge [sflag:s8], $0x400  }
0x171: {  	[sflag:s8] =	ssyncset.done $0x0  }
0x172: {  	s1 =	simm.s32 $0x0;
	s5 =	rddreg [dreg:$0xe];
	[sflag:s8] =	ssyncadd.s32 $0xFFFFFC00  }
0x173: {  	[tilespmem:s1], [sflag:$0x11] =	stream.linear.gather [hbm4b:s5+s1], $0x1388, $0x38;
	[tilespmem:$0x10C80] =	vst v63  }
0x174: {  	_ =	swait.ge [sflag:s21], $0x1388  }
0x175: {  	[sflag:s21] =	ssyncset.done $0x0  }
0x176: {  	[sflag:s21] =	ssyncadd.s32 $0xFFFFEC78  }
0x177: {  	[tilespmem:s4], [sflag:$0x1] =	stream.indirect.gather [hbm4b:s0+s2], $0x80, s1, s2, $0xb8;
	[tilespmem:$0x10C80] =	vst v63  }
0x178: {  	s9 =	simm.s32 $0x2800  }
0x179: {  	[tilespmem:s9], [sflag:$0x2] =	stream.indirect.gather [hbm4b:s0+s2], $0x80, s2, s2, $0xb8;
	[tilespmem:$0x10C80] =	vst v63  }
0x17a: {  	s10 =	simm.s32 $0x50  }
0x17b: {  	[tilespmem:s26], [sflag:$0x3] =	stream.indirect.gather [hbm4b:s0+s2], $0x80, s10, s2, $0xb8;
	[tilespmem:$0x10C80] =	vst v63  }
0x17c: {  	s11 =	simm.s32 $0x78;
	s8 =	simm.s32 $0x5000  }
0x17d: {  	[tilespmem:s8], [sflag:$0x4] =	stream.indirect.gather [hbm4b:s0+s2], $0x80, s11, s2, $0xb8;
	[tilespmem:$0x10C80] =	vst v63  }
0x17e: {  	s13 =	simm.s32 $0xA0  }
0x17f: {  	[tilespmem:s28], [sflag:$0x5] =	stream.indirect.gather [hbm4b:s0+s2], $0x80, s13, s2, $0xb8;
	[tilespmem:$0x10C80] =	vst v63  }
0x180: {  	s17 =	simm.s32 $0xC8;
	s19 =	simm.s32 $0x7800  }
0x181: {  	[tilespmem:s19], [sflag:$0x6] =	stream.indirect.gather [hbm4b:s0+s2], $0x80, s17, s2, $0xb8;
	[tilespmem:$0x10C80] =	vst v63  }
0x182: {  	s5 =	rddreg [dreg:$0x12];
	s19 =	simm.s32 $0x0  }
.LBB2_6:
0x183: {  	_ =	swait.ge [sflag:s24], $0x1400  }
0x184: {  	[sflag:s24] =	ssyncset.done $0x0  }
0x185: {  	s8 =	sadd.s32 $0xFFFFF380, s5;
	p0 =	seq.s32 s1, $0x4B00;
	[sflag:s24] =	ssyncadd.s32 $0xFFFFEC00  }
0x186: {  	[hbm4b:s8+s6] =	stream.linear.scatter [tilespmem:s4], [sflag:$0x7], $0x1400, $0x38;
	[tilespmem:$0x10C80] =	vst v63  }
0x187: {  	s8 =	simm.s32 @p0 $0x2  }
0x188: {  	_ =	swait.ge @p0 [sflag:s8], $0x1400  }
0x189: {  	[sflag:s8] =	ssyncset.done @p0 $0x0  }
0x18a: {  	s9 =	simm.s32 @p0 $0x2800;
	[sflag:s8] =	ssyncadd.s32 @p0 $0xFFFFEC00;
	s8 =	simm.s32 @p0 $0x0  }
0x18b: {  	[hbm4b:s12+s8] =	stream.linear.scatter @p0 [tilespmem:s9], [sflag:$0x8], $0x1400, $0x38;
	[tilespmem:$0x10C80] =	vst v63  }
0x18c: {  	s9 =	simm.s32 @!p0 $0x7  }
0x18d: {  	_ =	swait.ge @!p0 [sflag:s9], $0x1400  }
0x18e: {  	[sflag:s9] =	ssyncset.done @!p0 $0x0  }
0x18f: {  	[sflag:s9] =	ssyncadd.s32 @!p0 $0xFFFFEC00;
	s9 =	sshra.s32 @!p0 s1, $0x2  }
0x190: {  	s11 =	simm.s32 @!p0 $0x28;
	s13 =	simm.s32 @!p0 $0x1400;
	s10 =	sadd.s32 @!p0 $0xF0, s9  }
0x191: {  	[tilespmem:s13], [sflag:$0x1] =	stream.indirect.gather @!p0 [hbm4b:s0+s11], $0x80, s10, s11, $0xb8;
	[tilespmem:$0x10C80] =	vst v63  }
0x192: {  	s10 =	simm.s32 @!p0 $0x2  }
0x193: {  	_ =	swait.ge @!p0 [sflag:s10], $0x1400  }
0x194: {  	s17 =	simm.s32 @!p0 $0x2800;
	[sflag:s10] =	ssyncset.done @!p0 $0x0  }
0x195: {  	s13 =	simm.s32 @!p0 $0x0;
	[sflag:s10] =	ssyncadd.s32 @!p0 $0xFFFFEC00;
	s10 =	sadd.s32 @!p0 $0xFFFFF600, s5  }
0x196: {  	[hbm4b:s10+s13] =	stream.linear.scatter @!p0 [tilespmem:s17], [sflag:$0x8], $0x1400, $0x38;
	[tilespmem:$0x10C80] =	vst v63  }
0x197: {  	s10 =	simm.s32 @!p0 $0x8  }
0x198: {  	_ =	swait.ge @!p0 [sflag:s10], $0x1400  }
0x199: {  	[sflag:s10] =	ssyncset.done @!p0 $0x0  }
0x19a: {  	[sflag:s10] =	ssyncadd.s32 @!p0 $0xFFFFEC00;
	s10 =	sadd.s32 @!p0 $0x118, s9  }
0x19b: {  	[tilespmem:s17], [sflag:$0x2] =	stream.indirect.gather @!p0 [hbm4b:s0+s11], $0x80, s10, s11, $0xb8;
	[tilespmem:$0x10C80] =	vst v63  }
0x19c: {  	_ =	swait.ge [sflag:s25], $0x1400  }
0x19d: {  	[sflag:s25] =	ssyncset.done $0x0  }
0x19e: {  	s17 =	sadd.s32 $0xFFFFF880, s5;
	s10 =	simm.s32 @p0 $0x4;
	[sflag:s25] =	ssyncadd.s32 $0xFFFFEC00  }
0x19f: {  	[hbm4b:s17+s6] =	stream.linear.scatter [tilespmem:s26], [sflag:$0x9], $0x1400, $0x38;
	[tilespmem:$0x10C80] =	vst v63  }
0x1a0: {  	_ =	swait.ge @p0 [sflag:s10], $0x1400  }
0x1a1: {  	[sflag:s10] =	ssyncset.done @p0 $0x0  }
0x1a2: {  	[sflag:s10] =	ssyncadd.s32 @p0 $0xFFFFEC00;
	s10 =	simm.s32 @p0 $0x5000  }
0x1a3: {  	[hbm4b:s14+s8] =	stream.linear.scatter @p0 [tilespmem:s10], [sflag:$0xA], $0x1400, $0x38;
	[tilespmem:$0x10C80] =	vst v63  }
0x1a4: {  	s8 =	simm.s32 @!p0 $0x9  }
0x1a5: {  	_ =	swait.ge @!p0 [sflag:s8], $0x1400  }
0x1a6: {  	[sflag:s8] =	ssyncset.done @!p0 $0x0  }
0x1a7: {  	s10 =	simm.s32 @!p0 $0x3C00;
	[sflag:s8] =	ssyncadd.s32 @!p0 $0xFFFFEC00;
	s8 =	sadd.s32 @!p0 $0x140, s9  }
0x1a8: {  	[tilespmem:s10], [sflag:$0x3] =	stream.indirect.gather @!p0 [hbm4b:s0+s11], $0x80, s8, s11, $0xb8;
	[tilespmem:$0x10C80] =	vst v63  }
0x1a9: {  	s8 =	simm.s32 @!p0 $0x4  }
0x1aa: {  	_ =	swait.ge @!p0 [sflag:s8], $0x1400  }
0x1ab: {  	[sflag:s8] =	ssyncset.done @!p0 $0x0  }
0x1ac: {  	s10 =	simm.s32 @!p0 $0x5000;
	[sflag:s8] =	ssyncadd.s32 @!p0 $0xFFFFEC00;
	s8 =	sadd.s32 @!p0 $0xFFFFFB00, s5  }
0x1ad: {  	[hbm4b:s8+s13] =	stream.linear.scatter @!p0 [tilespmem:s10], [sflag:$0xA], $0x1400, $0x38;
	[tilespmem:$0x10C80] =	vst v63  }
0x1ae: {  	s8 =	simm.s32 @!p0 $0xA  }
0x1af: {  	_ =	swait.ge @!p0 [sflag:s8], $0x1400  }
0x1b0: {  	[sflag:s8] =	ssyncset.done @!p0 $0x0  }
0x1b1: {  	[sflag:s8] =	ssyncadd.s32 @!p0 $0xFFFFEC00;
	s8 =	sadd.s32 @!p0 $0x168, s9  }
0x1b2: {  	[tilespmem:s10], [sflag:$0x4] =	stream.indirect.gather @!p0 [hbm4b:s0+s11], $0x80, s8, s11, $0xb8;
	[tilespmem:$0x10C80] =	vst v63  }
0x1b3: {  	_ =	swait.ge [sflag:s7], $0x1400  }
0x1b4: {  	[sflag:s7] =	ssyncset.done $0x0  }
0x1b5: {  	s17 =	sadd.s32 $0xFFFFFD80, s5;
	s8 =	simm.s32 @!p0 $0xB;
	[sflag:s7] =	ssyncadd.s32 $0xFFFFEC00  }
0x1b6: {  	[hbm4b:s17+s6] =	stream.linear.scatter [tilespmem:s28], [sflag:$0xB], $0x1400, $0x38;
	[tilespmem:$0x10C80] =	vst v63  }
0x1b7: {  	_ =	swait.ge @!p0 [sflag:s8], $0x1400  }
0x1b8: {  	[sflag:s8] =	ssyncset.done @!p0 $0x0  }
0x1b9: {  	[sflag:s8] =	ssyncadd.s32 @!p0 $0xFFFFEC00;
	s8 =	sadd.s32 @!p0 $0x190, s9;
	s9 =	simm.s32 @!p0 $0x6400  }
0x1ba: {  	[tilespmem:s9], [sflag:$0x5] =	stream.indirect.gather @!p0 [hbm4b:s0+s11], $0x80, s8, s11, $0xb8;
	[tilespmem:$0x10C80] =	vst v63  }
0x1bb: {  	s8 =	simm.s32 @!p0 $0x6  }
0x1bc: {  	_ =	swait.ge @!p0 [sflag:s8], $0x1400  }
0x1bd: {  	p1 =	sgt.u32 @!p0 s19, $0x12;
	[sflag:s8] =	ssyncset.done @!p0 $0x0  }
0x1be: {  	p1 =	por p1, p0;
	[sflag:s8] =	ssyncadd.s32 @!p0 $0xFFFFEC00;
	s8 =	simm.s32 @!p0 $0x7800  }
0x1bf: {  	[hbm4b:s5+s13] =	stream.linear.scatter @!p0 [tilespmem:s8], [sflag:$0xC], $0x1400, $0x38;
	[tilespmem:$0x10C80] =	vst v63  }
0x1c0: {  	s8 =	simm.s32 @!p1 $0xC  }
0x1c1: {  	_ =	swait.ge @!p1 [sflag:s8], $0x1400  }
0x1c2: {  	[sflag:s8] =	ssyncset.done @!p1 $0x0  }
0x1c3: {  	s10 =	simm.s32 @!p1 $0x7800;
	[sflag:s8] =	ssyncadd.s32 @!p1 $0xFFFFEC00;
	s8 =	sshra.s32 @!p1 s1, $0x2  }
0x1c4: {  	s9 =	simm.s32 @!p1 $0x28;
	s1 =	sadd.s32 @!p0 $0x3C0, s1;
	s8 =	sadd.s32 @!p1 $0x1B8, s8  }
0x1c5: {  	[tilespmem:s10], [sflag:$0x6] =	stream.indirect.gather @!p1 [hbm4b:s0+s9], $0x80, s8, s9, $0xb8;
	[tilespmem:$0x10C80] =	vst v63  }
0x1c6: {  	p1 =	sne.s32 @!p0 s1, $0x4EC0  }
0x1c7: {  	p1 =	por p0, !p1  }
.Ltmp4:
0x1c8: {  	_ = 	snop;
	(pc) =	sbr.rel @!p1 .LBB2_6-.Ltmp4, $2  }
0x1c9: {  	_ =	sdelay $0x2  }
0x1ca: {  	s19 =	sadd.s32 @!p0 $0x1, s19;
	s5 =	sadd.s32 @!p0 $0xF00, s5  }
0x1cb: {  	s1 =	simm.s32 $0x7  }
0x1cc: {  	_ =	swait.ge [sflag:s1], $0x1400  }
0x1cd: {  	[sflag:s1] =	ssyncset.done $0x0  }
0x1ce: {  	s10 =	simm.s32 $0x8;
	[sflag:s1] =	ssyncadd.s32 $0xFFFFEC00  }
0x1cf: {  	_ =	swait.ge [sflag:s10], $0x1400  }
0x1d0: {  	[sflag:s10] =	ssyncset.done $0x0  }
0x1d1: {  	s11 =	simm.s32 $0x9;
	[sflag:s10] =	ssyncadd.s32 $0xFFFFEC00  }
0x1d2: {  	_ =	swait.ge [sflag:s11], $0x1400  }
0x1d3: {  	[sflag:s11] =	ssyncset.done $0x0  }
0x1d4: {  	s13 =	simm.s32 $0xA;
	[sflag:s11] =	ssyncadd.s32 $0xFFFFEC00  }
0x1d5: {  	_ =	swait.ge [sflag:s13], $0x1400  }
0x1d6: {  	[sflag:s13] =	ssyncset.done $0x0  }
0x1d7: {  	s17 =	simm.s32 $0xB;
	[sflag:s13] =	ssyncadd.s32 $0xFFFFEC00  }
0x1d8: {  	_ =	swait.ge [sflag:s17], $0x1400  }
0x1d9: {  	[sflag:s17] =	ssyncset.done $0x0  }
0x1da: {  	s5 =	simm.s32 $0xC;
	[sflag:s17] =	ssyncadd.s32 $0xFFFFEC00  }
0x1db: {  	_ =	swait.ge [sflag:s5], $0x1400  }
0x1dc: {  	s18 =	sadd.s32 $0x1, s18;
	s19 =	rddreg [dreg:$0xf]  }
0x1dd: {  	p0 =	sne.s32 s18, s19  }
.Ltmp5:
0x1de: {  	_ = 	snop;
	(pc) =	sbr.rel @p0 .LBB2_1-.Ltmp5, $3  }
0x1df: {  	_ =	sdelay $0x1  }
0x1e0: {  	[sflag:s5] =	ssyncset.done $0x0  }
0x1e1: {  	[sflag:s5] =	ssyncadd.s32 $0xFFFFEC00  }
0x1e2: {  	_ =	sfence.sel $0x180000  }
0x1e3: {  	[bflag:$0x0] =	sbarrier.arrive $0xFFFF  }
0x1e4: {  	_ =	strace $0x90000047  }
0x1e5: {  	s0 =	stileid.u32;
	[bflag:$0x2] =	sbarrier.arrive $0xFFFF  }
0x1e6: {  	p0 =	sne.s32 s0, $0x0;
	s0 =	rddreg [dreg:$0x9]  }
0x1e7: {  	s0 =	sadd.s32 @!p0 $0x100000, s0  }
0x1e8: {  	[sflag:s0] =	ssyncadd.tile.s32 @!p0 $0x1;
	_ =	shalt  }
.Lfunc_end2:
_tile_overlayer_lowered:
.L_overlay_start_2:
0x1e9: {  	(tag) =	ssettag $0x2  }
0x1ea: {  	s0 =	rddreg [dreg:$0x0];
	s2 =	stileid.u32  }
0x1eb: {  	s1 =	rddreg [dreg:$0x1];
	p0 =	sne.s32 s2, $0x0  }
0x1ec: {  	s3 =	rddreg [dreg:$0x2];
	[bflag:$0x3] =	sbarrier.arrive $0xFFFF;
	s2 =	simm.s32 @!p0 $0x1C11  }
0x1ed: {  	[timem:s3], [sflag:s2] =	dma.local @!p0 [hbm:s0], s1  }
0x1ee: {  	s0 =	simm.s32 @!p0 $0x11  }
0x1ef: {  	_ =	swait.ge @!p0 [sflag:s0], s1  }
0x1f0: {  	s1 =	ssub.s32 @!p0 $0x0, s1;
	[sflag:s0] =	ssyncset.done @!p0 $0x0  }
0x1f1: {  	[sflag:s0] =	ssyncadd.s32 @!p0 s1  }
0x1f2: {  	[bflag:$0x3] =	sbarrier.arrive $0xFFFF  }
0x1f3: {  	_ =	shalt  }

</sc_bundles>
